<compile_context>
chip_gen: v7x
topology: tpu7x:2x2x1
jax: 0.10.2.dev20260603
libtpu: 0.0.44.dev20260713+nightly
codegen_flags: <defaults>
</compile_context>

<pallas_src>
import functools

import jax
import jax.numpy as jnp
from jax import lax
from jax.experimental import pallas as pl
from jax.experimental.pallas import tpu as pltpu
from jax.experimental.pallas import tpu_sc as plsc

B = 16384
F = 26
FIELD = 40000
TOTAL = F * FIELD
NW = 32
RPW = B // NW
EPW = RPW * F
L = 16

FB = (0, 2, 7, 13, 20, 26)
FILL = (0, 81920, 280576, 520192, 800768, TOTAL)
NS = 5


def _stage_chunks(s):
    lo, hi = FILL[s], FILL[s + 1]
    n = hi - lo
    per = (n // 16) // 128 * 128
    if per * 16 == n:
        return lo, per, per
    per_hi = -((-n // 16) // 128) * 128
    return lo, per_hi, n - 15 * per_hi


def _sc_kernel(xt_hbm, table_hbm, bias_hbm, out_hbm,
               idx_v, vals_v, bias_v, out_v, stab,
               xsem, bsem, fsems, gsems):
    cid = lax.axis_index("c")
    sid = lax.axis_index("s")
    wid = sid * 2 + cid
    base = wid * RPW

    for f in range(F):
        pltpu.async_copy(xt_hbm.at[f, pl.ds(base, RPW)],
                         idx_v.at[pl.ds(f * RPW, RPW)], xsem)
    pltpu.async_copy(bias_hbm, bias_v, bsem)

    for s in range(NS):
        lo, per, last = _stage_chunks(s)
        if per == last:
            pltpu.async_copy(table_hbm.at[0, pl.ds(lo + sid * per, per)],
                             stab.at[pl.ds(lo + sid * per, per)], fsems[s])
        else:
            @pl.when(sid < 15)
            def _(lo=lo, per=per, s=s):
                pltpu.async_copy(table_hbm.at[0, pl.ds(lo + sid * per, per)],
                                 stab.at[pl.ds(lo + sid * per, per)], fsems[s])

            @pl.when(sid == 15)
            def _(lo=lo, per=per, last=last, s=s):
                pltpu.async_copy(
                    table_hbm.at[0, pl.ds(lo + 15 * per, last)],
                    stab.at[pl.ds(lo + 15 * per, last)], fsems[s])

    pltpu.make_async_copy(xt_hbm.at[0, pl.ds(0, EPW)], idx_v, xsem).wait()

    with jax.named_scope("idx_add"):
        def idx_body(c, carry):
            f = c >> 2
            off = f * FIELD
            p = c * 128
            for k in range(8):
                q = p + k * L
                idx_v[pl.ds(q, L)] = idx_v[pl.ds(q, L)] + off
            return carry
        lax.fori_loop(0, EPW // 128, idx_body, 0)

    pltpu.make_async_copy(bias_hbm, bias_v, bsem).wait()
    bias_vec = bias_v[...]

    for s in range(NS):
        lo, per, last = _stage_chunks(s)
        with jax.named_scope(f"fill{s}_wait"):
            if per == last:
                pltpu.make_async_copy(
                    table_hbm.at[0, pl.ds(lo + sid * per, per)],
                    stab.at[pl.ds(lo + sid * per, per)], fsems[s]).wait()
            else:
                @pl.when(sid < 15)
                def _(lo=lo, per=per, s=s):
                    pltpu.make_async_copy(
                        table_hbm.at[0, pl.ds(lo + sid * per, per)],
                        stab.at[pl.ds(lo + sid * per, per)], fsems[s]).wait()

                @pl.when(sid == 15)
                def _(lo=lo, per=per, last=last, s=s):
                    pltpu.make_async_copy(
                        table_hbm.at[0, pl.ds(lo + 15 * per, last)],
                        stab.at[pl.ds(lo + 15 * per, last)], fsems[s]).wait()
            plsc.subcore_barrier()

        e0, e1 = FB[s] * RPW, FB[s + 1] * RPW
        with jax.named_scope(f"gather{s}_start"):
            pltpu.async_copy(stab.at[idx_v.at[pl.ds(e0, e1 - e0)]],
                             vals_v.at[pl.ds(e0, e1 - e0)], gsems[s])

        if s > 0:
            _drain_reduce(s - 1, bias_vec, idx_v, vals_v, out_v, stab, gsems)
    _drain_reduce(NS - 1, bias_vec, idx_v, vals_v, out_v, stab, gsems)

    pltpu.sync_copy(out_v, out_hbm.at[pl.ds(base, RPW)])


def _drain_reduce(s, bias_vec, idx_v, vals_v, out_v, stab, gsems):
    e0, e1 = FB[s] * RPW, FB[s + 1] * RPW
    with jax.named_scope(f"gather{s}_wait"):
        pltpu.make_async_copy(stab.at[idx_v.at[pl.ds(e0, e1 - e0)]],
                              vals_v.at[pl.ds(e0, e1 - e0)], gsems[s]).wait()

    with jax.named_scope(f"reduce{s}"):
        def red_body(j, carry):
            p = j * L
            acc = bias_vec if s == 0 else out_v[pl.ds(p, L)]
            for f in range(FB[s], FB[s + 1]):
                acc = acc + vals_v[pl.ds(f * RPW + p, L)]
            out_v[pl.ds(p, L)] = acc
            return carry
        lax.fori_loop(0, RPW // L, red_body, 0)


@jax.jit
def _features_linear(xt, tablet, bias16):
    mesh = plsc.VectorSubcoreMesh(core_axis_name="c", subcore_axis_name="s")
    run = functools.partial(
        pl.kernel,
        mesh=mesh,
        compiler_params=pltpu.CompilerParams(needs_layout_passes=False),
        out_type=jax.ShapeDtypeStruct((B,), jnp.float32),
        scratch_types=[
            pltpu.VMEM((EPW,), jnp.int32),
            pltpu.VMEM((EPW,), jnp.float32),
            pltpu.VMEM((L,), jnp.float32),
            pltpu.VMEM((RPW,), jnp.float32),
            pltpu.VMEM_SHARED((TOTAL,), jnp.float32),
            pltpu.SemaphoreType.DMA,
            pltpu.SemaphoreType.DMA,
            [pltpu.SemaphoreType.DMA] * NS,
            [pltpu.SemaphoreType.DMA] * NS,
        ],
    )(_sc_kernel)
    return run(xt, tablet, bias16)


def kernel(x, table, bias):
    xt = x.T.astype(jnp.int32)
    bias16 = jnp.broadcast_to(bias.astype(jnp.float32), (L,))
    out = _features_linear(xt, table.T, bias16)
    return out.reshape(B, 1)

# --- scband reference (transcript-rebuilt; emitter-appended) ---
"""Pipeline reference for scband-features-linear-27882927685643 (READ-ONLY COPY).

The authoritative reference and input builder live on the scoring server;
editing this copy changes nothing except your own understanding.
"""

import jax, jax.numpy as jnp
import numpy as np

FIELD_DIMS = [40000] * 26
OFFSETS = np.array((0, *np.cumsum(FIELD_DIMS)[:-1]), dtype=np.int64)
TOTAL = int(sum(FIELD_DIMS))


def setup_inputs(seed: int = 0) -> dict:
    key = jax.random.key(seed)
    k1, k2 = jax.random.split(key, 2)
    x = jax.random.randint(k1, (16384, 26), 0, 40000)
    table = jax.random.normal(k2, (TOTAL, 1), dtype=jnp.float32) * 0.01
    bias = jnp.zeros((1,), dtype=jnp.float32)
    return {"x": x, "table": table, "bias": bias}


def reference(x, table, bias):
    # x: int[B, F]; add per-field offsets so each field indexes its own slice
    offsets = jnp.asarray(OFFSETS, dtype=x.dtype)
    idx = x + offsets[None, :]
    emb = jnp.take(table, idx, axis=0)  # [B, F, output_dim]
    return jnp.sum(emb, axis=1) + bias  # [B, output_dim]

if __name__ == "__main__":
    import jax
    _d = setup_inputs()
    print(jax.jit(kernel)(*tuple(_d.values())))

</pallas_src>

<mosaic_0001>
#map = affine_map<(d0, d1) -> (0, 0)>
#map1 = affine_map<(d0, d1) -> (0)>
module attributes {stable_mosaic.version = 14 : i64} {
  func.func @_sc_kernel(%arg0: i32, %arg1: i32, %arg2: memref<26x16384xi32, #tpu.memory_space<hbm>>, %arg3: memref<1x1040000xf32, #tpu.memory_space<hbm>>, %arg4: memref<16xf32, #tpu.memory_space<hbm>>, %arg5: memref<16384xf32, #tpu.memory_space<hbm>>, %arg6: memref<13312xi32, #tpu.memory_space<vmem>>, %arg7: memref<13312xf32, #tpu.memory_space<vmem>>, %arg8: memref<16xf32, #tpu.memory_space<vmem>>, %arg9: memref<512xf32, #tpu.memory_space<vmem>>, %arg10: memref<1040000xf32, #tpu.memory_space<vmem_shared>>, %arg11: memref<!tpu.dma_semaphore, #tpu.memory_space<semaphore_mem>>, %arg12: memref<!tpu.dma_semaphore, #tpu.memory_space<semaphore_mem>>, %arg13: memref<!tpu.dma_semaphore, #tpu.memory_space<semaphore_mem>>, %arg14: memref<!tpu.dma_semaphore, #tpu.memory_space<semaphore_mem>>, %arg15: memref<!tpu.dma_semaphore, #tpu.memory_space<semaphore_mem>>, %arg16: memref<!tpu.dma_semaphore, #tpu.memory_space<semaphore_mem>>, %arg17: memref<!tpu.dma_semaphore, #tpu.memory_space<semaphore_mem>>, %arg18: memref<!tpu.dma_semaphore, #tpu.memory_space<semaphore_mem>>, %arg19: memref<!tpu.dma_semaphore, #tpu.memory_space<semaphore_mem>>, %arg20: memref<!tpu.dma_semaphore, #tpu.memory_space<semaphore_mem>>, %arg21: memref<!tpu.dma_semaphore, #tpu.memory_space<semaphore_mem>>, %arg22: memref<!tpu.dma_semaphore, #tpu.memory_space<semaphore_mem>>) attributes {dimension_semantics = [#tpu.dimension_semantics<core_parallel>, #tpu.dimension_semantics<subcore_parallel>], iteration_bounds = array<i64: 2, 16>, scalar_prefetch = 0 : i64, scratch_operands = 17 : i64, tpu.core_type = #tpu.core_type<sc_vector_subcore>, window_params = [{transform_indices = #map}, {transform_indices = #map}, {transform_indices = #map1}, {transform_indices = #map1}]} {
    %mul3A = arith.constant 2 : i32
    %mul3A_0 = arith.muli %arg1, %mul3A : i32
    %add3A = arith.addi %mul3A_0, %arg0 : i32
    %mul3A_1 = arith.constant 512 : i32
    %mul3A_2 = arith.muli %add3A, %mul3A_1 : i32
    %dma_start3A = arith.constant 0 : i32
    %dma_start3A_3 = arith.constant 0 : i32
    %dma_start3A_4 = tpu.memref_slice %arg6[%dma_start3A_3] : memref<13312xi32, #tpu.memory_space<vmem>> -> memref<512xi32, #tpu.memory_space<vmem>>
    %dma_start3A_5 = tpu.memref_slice %arg2[%dma_start3A, %mul3A_2] : memref<26x16384xi32, #tpu.memory_space<hbm>> -> memref<1x512xi32, #tpu.memory_space<hbm>>
    %dma_start3A_6 = tpu.memref_squeeze %dma_start3A_5 : memref<1x512xi32, #tpu.memory_space<hbm>> -> memref<512xi32, #tpu.memory_space<hbm>>
    %dma_start3A_7 = arith.constant 0 : i32
    %dma_start3A_8 = tpu.memref_slice %arg6[%dma_start3A_7] : memref<13312xi32, #tpu.memory_space<vmem>> -> memref<512xi32, #tpu.memory_space<vmem>>
    %dma_start3A_9 = tpu.memref_slice %arg2[%dma_start3A, %mul3A_2] : memref<26x16384xi32, #tpu.memory_space<hbm>> -> memref<1x512xi32, #tpu.memory_space<hbm>>
    %dma_start3A_10 = tpu.memref_squeeze %dma_start3A_9 : memref<1x512xi32, #tpu.memory_space<hbm>> -> memref<512xi32, #tpu.memory_space<hbm>>
    tpu.enqueue_dma source(%dma_start3A_10 : memref<512xi32, #tpu.memory_space<hbm>>) target(%dma_start3A_8 : memref<512xi32, #tpu.memory_space<vmem>>) target_semaphore(%arg11 : memref<!tpu.dma_semaphore, #tpu.memory_space<semaphore_mem>>)
    %dma_start3A_11 = arith.constant 1 : i32
    %dma_start3A_12 = arith.constant 512 : i32
    %dma_start3A_13 = tpu.memref_slice %arg6[%dma_start3A_12] : memref<13312xi32, #tpu.memory_space<vmem>> -> memref<512xi32, #tpu.memory_space<vmem>>
    %dma_start3A_14 = tpu.memref_slice %arg2[%dma_start3A_11, %mul3A_2] : memref<26x16384xi32, #tpu.memory_space<hbm>> -> memref<1x512xi32, #tpu.memory_space<hbm>>
    %dma_start3A_15 = tpu.memref_squeeze %dma_start3A_14 : memref<1x512xi32, #tpu.memory_space<hbm>> -> memref<512xi32, #tpu.memory_space<hbm>>
    %dma_start3A_16 = arith.constant 512 : i32
    %dma_start3A_17 = tpu.memref_slice %arg6[%dma_start3A_16] : memref<13312xi32, #tpu.memory_space<vmem>> -> memref<512xi32, #tpu.memory_space<vmem>>
    %dma_start3A_18 = tpu.memref_slice %arg2[%dma_start3A_11, %mul3A_2] : memref<26x16384xi32, #tpu.memory_space<hbm>> -> memref<1x512xi32, #tpu.memory_space<hbm>>
    %dma_start3A_19 = tpu.memref_squeeze %dma_start3A_18 : memref<1x512xi32, #tpu.memory_space<hbm>> -> memref<512xi32, #tpu.memory_space<hbm>>
    tpu.enqueue_dma source(%dma_start3A_19 : memref<512xi32, #tpu.memory_space<hbm>>) target(%dma_start3A_17 : memref<512xi32, #tpu.memory_space<vmem>>) target_semaphore(%arg11 : memref<!tpu.dma_semaphore, #tpu.memory_space<semaphore_mem>>)
    %dma_start3A_20 = arith.constant 2 : i32
    %dma_start3A_21 = arith.constant 1024 : i32
    %dma_start3A_22 = tpu.memref_slice %arg6[%dma_start3A_21] : memref<13312xi32, #tpu.memory_space<vmem>> -> memref<512xi32, #tpu.memory_space<vmem>>
    %dma_start3A_23 = tpu.memref_slice %arg2[%dma_start3A_20, %mul3A_2] : memref<26x16384xi32, #tpu.memory_space<hbm>> -> memref<1x512xi32, #tpu.memory_space<hbm>>
    %dma_start3A_24 = tpu.memref_squeeze %dma_start3A_23 : memref<1x512xi32, #tpu.memory_space<hbm>> -> memref<512xi32, #tpu.memory_space<hbm>>
    %dma_start3A_25 = arith.constant 1024 : i32
    %dma_start3A_26 = tpu.memref_slice %arg6[%dma_start3A_25] : memref<13312xi32, #tpu.memory_space<vmem>> -> memref<512xi32, #tpu.memory_space<vmem>>
    %dma_start3A_27 = tpu.memref_slice %arg2[%dma_start3A_20, %mul3A_2] : memref<26x16384xi32, #tpu.memory_space<hbm>> -> memref<1x512xi32, #tpu.memory_space<hbm>>
    %dma_start3A_28 = tpu.memref_squeeze %dma_start3A_27 : memref<1x512xi32, #tpu.memory_space<hbm>> -> memref<512xi32, #tpu.memory_space<hbm>>
    tpu.enqueue_dma source(%dma_start3A_28 : memref<512xi32, #tpu.memory_space<hbm>>) target(%dma_start3A_26 : memref<512xi32, #tpu.memory_space<vmem>>) target_semaphore(%arg11 : memref<!tpu.dma_semaphore, #tpu.memory_space<semaphore_mem>>)
    %dma_start3A_29 = arith.constant 3 : i32
    %dma_start3A_30 = arith.constant 1536 : i32
    %dma_start3A_31 = tpu.memref_slice %arg6[%dma_start3A_30] : memref<13312xi32, #tpu.memory_space<vmem>> -> memref<512xi32, #tpu.memory_space<vmem>>
    %dma_start3A_32 = tpu.memref_slice %arg2[%dma_start3A_29, %mul3A_2] : memref<26x16384xi32, #tpu.memory_space<hbm>> -> memref<1x512xi32, #tpu.memory_space<hbm>>
    %dma_start3A_33 = tpu.memref_squeeze %dma_start3A_32 : memref<1x512xi32, #tpu.memory_space<hbm>> -> memref<512xi32, #tpu.memory_space<hbm>>
    %dma_start3A_34 = arith.constant 1536 : i32
    %dma_start3A_35 = tpu.memref_slice %arg6[%dma_start3A_34] : memref<13312xi32, #tpu.memory_space<vmem>> -> memref<512xi32, #tpu.memory_space<vmem>>
    %dma_start3A_36 = tpu.memref_slice %arg2[%dma_start3A_29, %mul3A_2] : memref<26x16384xi32, #tpu.memory_space<hbm>> -> memref<1x512xi32, #tpu.memory_space<hbm>>
    %dma_start3A_37 = tpu.memref_squeeze %dma_start3A_36 : memref<1x512xi32, #tpu.memory_space<hbm>> -> memref<512xi32, #tpu.memory_space<hbm>>
    tpu.enqueue_dma source(%dma_start3A_37 : memref<512xi32, #tpu.memory_space<hbm>>) target(%dma_start3A_35 : memref<512xi32, #tpu.memory_space<vmem>>) target_semaphore(%arg11 : memref<!tpu.dma_semaphore, #tpu.memory_space<semaphore_mem>>)
    %dma_start3A_38 = arith.constant 4 : i32
    %dma_start3A_39 = arith.constant 2048 : i32
    %dma_start3A_40 = tpu.memref_slice %arg6[%dma_start3A_39] : memref<13312xi32, #tpu.memory_space<vmem>> -> memref<512xi32, #tpu.memory_space<vmem>>
    %dma_start3A_41 = tpu.memref_slice %arg2[%dma_start3A_38, %mul3A_2] : memref<26x16384xi32, #tpu.memory_space<hbm>> -> memref<1x512xi32, #tpu.memory_space<hbm>>
    %dma_start3A_42 = tpu.memref_squeeze %dma_start3A_41 : memref<1x512xi32, #tpu.memory_space<hbm>> -> memref<512xi32, #tpu.memory_space<hbm>>
    %dma_start3A_43 = arith.constant 2048 : i32
    %dma_start3A_44 = tpu.memref_slice %arg6[%dma_start3A_43] : memref<13312xi32, #tpu.memory_space<vmem>> -> memref<512xi32, #tpu.memory_space<vmem>>
    %dma_start3A_45 = tpu.memref_slice %arg2[%dma_start3A_38, %mul3A_2] : memref<26x16384xi32, #tpu.memory_space<hbm>> -> memref<1x512xi32, #tpu.memory_space<hbm>>
    %dma_start3A_46 = tpu.memref_squeeze %dma_start3A_45 : memref<1x512xi32, #tpu.memory_space<hbm>> -> memref<512xi32, #tpu.memory_space<hbm>>
    tpu.enqueue_dma source(%dma_start3A_46 : memref<512xi32, #tpu.memory_space<hbm>>) target(%dma_start3A_44 : memref<512xi32, #tpu.memory_space<vmem>>) target_semaphore(%arg11 : memref<!tpu.dma_semaphore, #tpu.memory_space<semaphore_mem>>)
    %dma_start3A_47 = arith.constant 5 : i32
    %dma_start3A_48 = arith.constant 2560 : i32
    %dma_start3A_49 = tpu.memref_slice %arg6[%dma_start3A_48] : memref<13312xi32, #tpu.memory_space<vmem>> -> memref<512xi32, #tpu.memory_space<vmem>>
    %dma_start3A_50 = tpu.memref_slice %arg2[%dma_start3A_47, %mul3A_2] : memref<26x16384xi32, #tpu.memory_space<hbm>> -> memref<1x512xi32, #tpu.memory_space<hbm>>
    %dma_start3A_51 = tpu.memref_squeeze %dma_start3A_50 : memref<1x512xi32, #tpu.memory_space<hbm>> -> memref<512xi32, #tpu.memory_space<hbm>>
    %dma_start3A_52 = arith.constant 2560 : i32
    %dma_start3A_53 = tpu.memref_slice %arg6[%dma_start3A_52] : memref<13312xi32, #tpu.memory_space<vmem>> -> memref<512xi32, #tpu.memory_space<vmem>>
    %dma_start3A_54 = tpu.memref_slice %arg2[%dma_start3A_47, %mul3A_2] : memref<26x16384xi32, #tpu.memory_space<hbm>> -> memref<1x512xi32, #tpu.memory_space<hbm>>
    %dma_start3A_55 = tpu.memref_squeeze %dma_start3A_54 : memref<1x512xi32, #tpu.memory_space<hbm>> -> memref<512xi32, #tpu.memory_space<hbm>>
    tpu.enqueue_dma source(%dma_start3A_55 : memref<512xi32, #tpu.memory_space<hbm>>) target(%dma_start3A_53 : memref<512xi32, #tpu.memory_space<vmem>>) target_semaphore(%arg11 : memref<!tpu.dma_semaphore, #tpu.memory_space<semaphore_mem>>)
    %dma_start3A_56 = arith.constant 6 : i32
    %dma_start3A_57 = arith.constant 3072 : i32
    %dma_start3A_58 = tpu.memref_slice %arg6[%dma_start3A_57] : memref<13312xi32, #tpu.memory_space<vmem>> -> memref<512xi32, #tpu.memory_space<vmem>>
    %dma_start3A_59 = tpu.memref_slice %arg2[%dma_start3A_56, %mul3A_2] : memref<26x16384xi32, #tpu.memory_space<hbm>> -> memref<1x512xi32, #tpu.memory_space<hbm>>
    %dma_start3A_60 = tpu.memref_squeeze %dma_start3A_59 : memref<1x512xi32, #tpu.memory_space<hbm>> -> memref<512xi32, #tpu.memory_space<hbm>>
    %dma_start3A_61 = arith.constant 3072 : i32
    %dma_start3A_62 = tpu.memref_slice %arg6[%dma_start3A_61] : memref<13312xi32, #tpu.memory_space<vmem>> -> memref<512xi32, #tpu.memory_space<vmem>>
    %dma_start3A_63 = tpu.memref_slice %arg2[%dma_start3A_56, %mul3A_2] : memref<26x16384xi32, #tpu.memory_space<hbm>> -> memref<1x512xi32, #tpu.memory_space<hbm>>
    %dma_start3A_64 = tpu.memref_squeeze %dma_start3A_63 : memref<1x512xi32, #tpu.memory_space<hbm>> -> memref<512xi32, #tpu.memory_space<hbm>>
    tpu.enqueue_dma source(%dma_start3A_64 : memref<512xi32, #tpu.memory_space<hbm>>) target(%dma_start3A_62 : memref<512xi32, #tpu.memory_space<vmem>>) target_semaphore(%arg11 : memref<!tpu.dma_semaphore, #tpu.memory_space<semaphore_mem>>)
    %dma_start3A_65 = arith.constant 7 : i32
    %dma_start3A_66 = arith.constant 3584 : i32
    %dma_start3A_67 = tpu.memref_slice %arg6[%dma_start3A_66] : memref<13312xi32, #tpu.memory_space<vmem>> -> memref<512xi32, #tpu.memory_space<vmem>>
    %dma_start3A_68 = tpu.memref_slice %arg2[%dma_start3A_65, %mul3A_2] : memref<26x16384xi32, #tpu.memory_space<hbm>> -> memref<1x512xi32, #tpu.memory_space<hbm>>
    %dma_start3A_69 = tpu.memref_squeeze %dma_start3A_68 : memref<1x512xi32, #tpu.memory_space<hbm>> -> memref<512xi32, #tpu.memory_space<hbm>>
    %dma_start3A_70 = arith.constant 3584 : i32
    %dma_start3A_71 = tpu.memref_slice %arg6[%dma_start3A_70] : memref<13312xi32, #tpu.memory_space<vmem>> -> memref<512xi32, #tpu.memory_space<vmem>>
    %dma_start3A_72 = tpu.memref_slice %arg2[%dma_start3A_65, %mul3A_2] : memref<26x16384xi32, #tpu.memory_space<hbm>> -> memref<1x512xi32, #tpu.memory_space<hbm>>
    %dma_start3A_73 = tpu.memref_squeeze %dma_start3A_72 : memref<1x512xi32, #tpu.memory_space<hbm>> -> memref<512xi32, #tpu.memory_space<hbm>>
    tpu.enqueue_dma source(%dma_start3A_73 : memref<512xi32, #tpu.memory_space<hbm>>) target(%dma_start3A_71 : memref<512xi32, #tpu.memory_space<vmem>>) target_semaphore(%arg11 : memref<!tpu.dma_semaphore, #tpu.memory_space<semaphore_mem>>)
    %dma_start3A_74 = arith.constant 8 : i32
    %dma_start3A_75 = arith.constant 4096 : i32
    %dma_start3A_76 = tpu.memref_slice %arg6[%dma_start3A_75] : memref<13312xi32, #tpu.memory_space<vmem>> -> memref<512xi32, #tpu.memory_space<vmem>>
    %dma_start3A_77 = tpu.memref_slice %arg2[%dma_start3A_74, %mul3A_2] : memref<26x16384xi32, #tpu.memory_space<hbm>> -> memref<1x512xi32, #tpu.memory_space<hbm>>
    %dma_start3A_78 = tpu.memref_squeeze %dma_start3A_77 : memref<1x512xi32, #tpu.memory_space<hbm>> -> memref<512xi32, #tpu.memory_space<hbm>>
    %dma_start3A_79 = arith.constant 4096 : i32
    %dma_start3A_80 = tpu.memref_slice %arg6[%dma_start3A_79] : memref<13312xi32, #tpu.memory_space<vmem>> -> memref<512xi32, #tpu.memory_space<vmem>>
    %dma_start3A_81 = tpu.memref_slice %arg2[%dma_start3A_74, %mul3A_2] : memref<26x16384xi32, #tpu.memory_space<hbm>> -> memref<1x512xi32, #tpu.memory_space<hbm>>
    %dma_start3A_82 = tpu.memref_squeeze %dma_start3A_81 : memref<1x512xi32, #tpu.memory_space<hbm>> -> memref<512xi32, #tpu.memory_space<hbm>>
    tpu.enqueue_dma source(%dma_start3A_82 : memref<512xi32, #tpu.memory_space<hbm>>) target(%dma_start3A_80 : memref<512xi32, #tpu.memory_space<vmem>>) target_semaphore(%arg11 : memref<!tpu.dma_semaphore, #tpu.memory_space<semaphore_mem>>)
    %dma_start3A_83 = arith.constant 9 : i32
    %dma_start3A_84 = arith.constant 4608 : i32
    %dma_start3A_85 = tpu.memref_slice %arg6[%dma_start3A_84] : memref<13312xi32, #tpu.memory_space<vmem>> -> memref<512xi32, #tpu.memory_space<vmem>>
    %dma_start3A_86 = tpu.memref_slice %arg2[%dma_start3A_83, %mul3A_2] : memref<26x16384xi32, #tpu.memory_space<hbm>> -> memref<1x512xi32, #tpu.memory_space<hbm>>
    %dma_start3A_87 = tpu.memref_squeeze %dma_start3A_86 : memref<1x512xi32, #tpu.memory_space<hbm>> -> memref<512xi32, #tpu.memory_space<hbm>>
    %dma_start3A_88 = arith.constant 4608 : i32
    %dma_start3A_89 = tpu.memref_slice %arg6[%dma_start3A_88] : memref<13312xi32, #tpu.memory_space<vmem>> -> memref<512xi32, #tpu.memory_space<vmem>>
    %dma_start3A_90 = tpu.memref_slice %arg2[%dma_start3A_83, %mul3A_2] : memref<26x16384xi32, #tpu.memory_space<hbm>> -> memref<1x512xi32, #tpu.memory_space<hbm>>
    %dma_start3A_91 = tpu.memref_squeeze %dma_start3A_90 : memref<1x512xi32, #tpu.memory_space<hbm>> -> memref<512xi32, #tpu.memory_space<hbm>>
    tpu.enqueue_dma source(%dma_start3A_91 : memref<512xi32, #tpu.memory_space<hbm>>) target(%dma_start3A_89 : memref<512xi32, #tpu.memory_space<vmem>>) target_semaphore(%arg11 : memref<!tpu.dma_semaphore, #tpu.memory_space<semaphore_mem>>)
    %dma_start3A_92 = arith.constant 10 : i32
    %dma_start3A_93 = arith.constant 5120 : i32
    %dma_start3A_94 = tpu.memref_slice %arg6[%dma_start3A_93] : memref<13312xi32, #tpu.memory_space<vmem>> -> memref<512xi32, #tpu.memory_space<vmem>>
    %dma_start3A_95 = tpu.memref_slice %arg2[%dma_start3A_92, %mul3A_2] : memref<26x16384xi32, #tpu.memory_space<hbm>> -> memref<1x512xi32, #tpu.memory_space<hbm>>
    %dma_start3A_96 = tpu.memref_squeeze %dma_start3A_95 : memref<1x512xi32, #tpu.memory_space<hbm>> -> memref<512xi32, #tpu.memory_space<hbm>>
    %dma_start3A_97 = arith.constant 5120 : i32
    %dma_start3A_98 = tpu.memref_slice %arg6[%dma_start3A_97] : memref<13312xi32, #tpu.memory_space<vmem>> -> memref<512xi32, #tpu.memory_space<vmem>>
    %dma_start3A_99 = tpu.memref_slice %arg2[%dma_start3A_92, %mul3A_2] : memref<26x16384xi32, #tpu.memory_space<hbm>> -> memref<1x512xi32, #tpu.memory_space<hbm>>
    %dma_start3A_100 = tpu.memref_squeeze %dma_start3A_99 : memref<1x512xi32, #tpu.memory_space<hbm>> -> memref<512xi32, #tpu.memory_space<hbm>>
    tpu.enqueue_dma source(%dma_start3A_100 : memref<512xi32, #tpu.memory_space<hbm>>) target(%dma_start3A_98 : memref<512xi32, #tpu.memory_space<vmem>>) target_semaphore(%arg11 : memref<!tpu.dma_semaphore, #tpu.memory_space<semaphore_mem>>)
    %dma_start3A_101 = arith.constant 11 : i32
    %dma_start3A_102 = arith.constant 5632 : i32
    %dma_start3A_103 = tpu.memref_slice %arg6[%dma_start3A_102] : memref<13312xi32, #tpu.memory_space<vmem>> -> memref<512xi32, #tpu.memory_space<vmem>>
    %dma_start3A_104 = tpu.memref_slice %arg2[%dma_start3A_101, %mul3A_2] : memref<26x16384xi32, #tpu.memory_space<hbm>> -> memref<1x512xi32, #tpu.memory_space<hbm>>
    %dma_start3A_105 = tpu.memref_squeeze %dma_start3A_104 : memref<1x512xi32, #tpu.memory_space<hbm>> -> memref<512xi32, #tpu.memory_space<hbm>>
    %dma_start3A_106 = arith.constant 5632 : i32
    %dma_start3A_107 = tpu.memref_slice %arg6[%dma_start3A_106] : memref<13312xi32, #tpu.memory_space<vmem>> -> memref<512xi32, #tpu.memory_space<vmem>>
    %dma_start3A_108 = tpu.memref_slice %arg2[%dma_start3A_101, %mul3A_2] : memref<26x16384xi32, #tpu.memory_space<hbm>> -> memref<1x512xi32, #tpu.memory_space<hbm>>
    %dma_start3A_109 = tpu.memref_squeeze %dma_start3A_108 : memref<1x512xi32, #tpu.memory_space<hbm>> -> memref<512xi32, #tpu.memory_space<hbm>>
    tpu.enqueue_dma source(%dma_start3A_109 : memref<512xi32, #tpu.memory_space<hbm>>) target(%dma_start3A_107 : memref<512xi32, #tpu.memory_space<vmem>>) target_semaphore(%arg11 : memref<!tpu.dma_semaphore, #tpu.memory_space<semaphore_mem>>)
    %dma_start3A_110 = arith.constant 12 : i32
    %dma_start3A_111 = arith.constant 6144 : i32
    %dma_start3A_112 = tpu.memref_slice %arg6[%dma_start3A_111] : memref<13312xi32, #tpu.memory_space<vmem>> -> memref<512xi32, #tpu.memory_space<vmem>>
    %dma_start3A_113 = tpu.memref_slice %arg2[%dma_start3A_110, %mul3A_2] : memref<26x16384xi32, #tpu.memory_space<hbm>> -> memref<1x512xi32, #tpu.memory_space<hbm>>
    %dma_start3A_114 = tpu.memref_squeeze %dma_start3A_113 : memref<1x512xi32, #tpu.memory_space<hbm>> -> memref<512xi32, #tpu.memory_space<hbm>>
    %dma_start3A_115 = arith.constant 6144 : i32
    %dma_start3A_116 = tpu.memref_slice %arg6[%dma_start3A_115] : memref<13312xi32, #tpu.memory_space<vmem>> -> memref<512xi32, #tpu.memory_space<vmem>>
    %dma_start3A_117 = tpu.memref_slice %arg2[%dma_start3A_110, %mul3A_2] : memref<26x16384xi32, #tpu.memory_space<hbm>> -> memref<1x512xi32, #tpu.memory_space<hbm>>
    %dma_start3A_118 = tpu.memref_squeeze %dma_start3A_117 : memref<1x512xi32, #tpu.memory_space<hbm>> -> memref<512xi32, #tpu.memory_space<hbm>>
    tpu.enqueue_dma source(%dma_start3A_118 : memref<512xi32, #tpu.memory_space<hbm>>) target(%dma_start3A_116 : memref<512xi32, #tpu.memory_space<vmem>>) target_semaphore(%arg11 : memref<!tpu.dma_semaphore, #tpu.memory_space<semaphore_mem>>)
    %dma_start3A_119 = arith.constant 13 : i32
    %dma_start3A_120 = arith.constant 6656 : i32
    %dma_start3A_121 = tpu.memref_slice %arg6[%dma_start3A_120] : memref<13312xi32, #tpu.memory_space<vmem>> -> memref<512xi32, #tpu.memory_space<vmem>>
    %dma_start3A_122 = tpu.memref_slice %arg2[%dma_start3A_119, %mul3A_2] : memref<26x16384xi32, #tpu.memory_space<hbm>> -> memref<1x512xi32, #tpu.memory_space<hbm>>
    %dma_start3A_123 = tpu.memref_squeeze %dma_start3A_122 : memref<1x512xi32, #tpu.memory_space<hbm>> -> memref<512xi32, #tpu.memory_space<hbm>>
    %dma_start3A_124 = arith.constant 6656 : i32
    %dma_start3A_125 = tpu.memref_slice %arg6[%dma_start3A_124] : memref<13312xi32, #tpu.memory_space<vmem>> -> memref<512xi32, #tpu.memory_space<vmem>>
    %dma_start3A_126 = tpu.memref_slice %arg2[%dma_start3A_119, %mul3A_2] : memref<26x16384xi32, #tpu.memory_space<hbm>> -> memref<1x512xi32, #tpu.memory_space<hbm>>
    %dma_start3A_127 = tpu.memref_squeeze %dma_start3A_126 : memref<1x512xi32, #tpu.memory_space<hbm>> -> memref<512xi32, #tpu.memory_space<hbm>>
    tpu.enqueue_dma source(%dma_start3A_127 : memref<512xi32, #tpu.memory_space<hbm>>) target(%dma_start3A_125 : memref<512xi32, #tpu.memory_space<vmem>>) target_semaphore(%arg11 : memref<!tpu.dma_semaphore, #tpu.memory_space<semaphore_mem>>)
    %dma_start3A_128 = arith.constant 14 : i32
    %dma_start3A_129 = arith.constant 7168 : i32
    %dma_start3A_130 = tpu.memref_slice %arg6[%dma_start3A_129] : memref<13312xi32, #tpu.memory_space<vmem>> -> memref<512xi32, #tpu.memory_space<vmem>>
    %dma_start3A_131 = tpu.memref_slice %arg2[%dma_start3A_128, %mul3A_2] : memref<26x16384xi32, #tpu.memory_space<hbm>> -> memref<1x512xi32, #tpu.memory_space<hbm>>
    %dma_start3A_132 = tpu.memref_squeeze %dma_start3A_131 : memref<1x512xi32, #tpu.memory_space<hbm>> -> memref<512xi32, #tpu.memory_space<hbm>>
    %dma_start3A_133 = arith.constant 7168 : i32
    %dma_start3A_134 = tpu.memref_slice %arg6[%dma_start3A_133] : memref<13312xi32, #tpu.memory_space<vmem>> -> memref<512xi32, #tpu.memory_space<vmem>>
    %dma_start3A_135 = tpu.memref_slice %arg2[%dma_start3A_128, %mul3A_2] : memref<26x16384xi32, #tpu.memory_space<hbm>> -> memref<1x512xi32, #tpu.memory_space<hbm>>
    %dma_start3A_136 = tpu.memref_squeeze %dma_start3A_135 : memref<1x512xi32, #tpu.memory_space<hbm>> -> memref<512xi32, #tpu.memory_space<hbm>>
    tpu.enqueue_dma source(%dma_start3A_136 : memref<512xi32, #tpu.memory_space<hbm>>) target(%dma_start3A_134 : memref<512xi32, #tpu.memory_space<vmem>>) target_semaphore(%arg11 : memref<!tpu.dma_semaphore, #tpu.memory_space<semaphore_mem>>)
    %dma_start3A_137 = arith.constant 15 : i32
    %dma_start3A_138 = arith.constant 7680 : i32
    %dma_start3A_139 = tpu.memref_slice %arg6[%dma_start3A_138] : memref<13312xi32, #tpu.memory_space<vmem>> -> memref<512xi32, #tpu.memory_space<vmem>>
    %dma_start3A_140 = tpu.memref_slice %arg2[%dma_start3A_137, %mul3A_2] : memref<26x16384xi32, #tpu.memory_space<hbm>> -> memref<1x512xi32, #tpu.memory_space<hbm>>
    %dma_start3A_141 = tpu.memref_squeeze %dma_start3A_140 : memref<1x512xi32, #tpu.memory_space<hbm>> -> memref<512xi32, #tpu.memory_space<hbm>>
    %dma_start3A_142 = arith.constant 7680 : i32
    %dma_start3A_143 = tpu.memref_slice %arg6[%dma_start3A_142] : memref<13312xi32, #tpu.memory_space<vmem>> -> memref<512xi32, #tpu.memory_space<vmem>>
    %dma_start3A_144 = tpu.memref_slice %arg2[%dma_start3A_137, %mul3A_2] : memref<26x16384xi32, #tpu.memory_space<hbm>> -> memref<1x512xi32, #tpu.memory_space<hbm>>
    %dma_start3A_145 = tpu.memref_squeeze %dma_start3A_144 : memref<1x512xi32, #tpu.memory_space<hbm>> -> memref<512xi32, #tpu.memory_space<hbm>>
    tpu.enqueue_dma source(%dma_start3A_145 : memref<512xi32, #tpu.memory_space<hbm>>) target(%dma_start3A_143 : memref<512xi32, #tpu.memory_space<vmem>>) target_semaphore(%arg11 : memref<!tpu.dma_semaphore, #tpu.memory_space<semaphore_mem>>)
    %dma_start3A_146 = arith.constant 16 : i32
    %dma_start3A_147 = arith.constant 8192 : i32
    %dma_start3A_148 = tpu.memref_slice %arg6[%dma_start3A_147] : memref<13312xi32, #tpu.memory_space<vmem>> -> memref<512xi32, #tpu.memory_space<vmem>>
    %dma_start3A_149 = tpu.memref_slice %arg2[%dma_start3A_146, %mul3A_2] : memref<26x16384xi32, #tpu.memory_space<hbm>> -> memref<1x512xi32, #tpu.memory_space<hbm>>
    %dma_start3A_150 = tpu.memref_squeeze %dma_start3A_149 : memref<1x512xi32, #tpu.memory_space<hbm>> -> memref<512xi32, #tpu.memory_space<hbm>>
    %dma_start3A_151 = arith.constant 8192 : i32
    %dma_start3A_152 = tpu.memref_slice %arg6[%dma_start3A_151] : memref<13312xi32, #tpu.memory_space<vmem>> -> memref<512xi32, #tpu.memory_space<vmem>>
    %dma_start3A_153 = tpu.memref_slice %arg2[%dma_start3A_146, %mul3A_2] : memref<26x16384xi32, #tpu.memory_space<hbm>> -> memref<1x512xi32, #tpu.memory_space<hbm>>
    %dma_start3A_154 = tpu.memref_squeeze %dma_start3A_153 : memref<1x512xi32, #tpu.memory_space<hbm>> -> memref<512xi32, #tpu.memory_space<hbm>>
    tpu.enqueue_dma source(%dma_start3A_154 : memref<512xi32, #tpu.memory_space<hbm>>) target(%dma_start3A_152 : memref<512xi32, #tpu.memory_space<vmem>>) target_semaphore(%arg11 : memref<!tpu.dma_semaphore, #tpu.memory_space<semaphore_mem>>)
    %dma_start3A_155 = arith.constant 17 : i32
    %dma_start3A_156 = arith.constant 8704 : i32
    %dma_start3A_157 = tpu.memref_slice %arg6[%dma_start3A_156] : memref<13312xi32, #tpu.memory_space<vmem>> -> memref<512xi32, #tpu.memory_space<vmem>>
    %dma_start3A_158 = tpu.memref_slice %arg2[%dma_start3A_155, %mul3A_2] : memref<26x16384xi32, #tpu.memory_space<hbm>> -> memref<1x512xi32, #tpu.memory_space<hbm>>
    %dma_start3A_159 = tpu.memref_squeeze %dma_start3A_158 : memref<1x512xi32, #tpu.memory_space<hbm>> -> memref<512xi32, #tpu.memory_space<hbm>>
    %dma_start3A_160 = arith.constant 8704 : i32
    %dma_start3A_161 = tpu.memref_slice %arg6[%dma_start3A_160] : memref<13312xi32, #tpu.memory_space<vmem>> -> memref<512xi32, #tpu.memory_space<vmem>>
    %dma_start3A_162 = tpu.memref_slice %arg2[%dma_start3A_155, %mul3A_2] : memref<26x16384xi32, #tpu.memory_space<hbm>> -> memref<1x512xi32, #tpu.memory_space<hbm>>
    %dma_start3A_163 = tpu.memref_squeeze %dma_start3A_162 : memref<1x512xi32, #tpu.memory_space<hbm>> -> memref<512xi32, #tpu.memory_space<hbm>>
    tpu.enqueue_dma source(%dma_start3A_163 : memref<512xi32, #tpu.memory_space<hbm>>) target(%dma_start3A_161 : memref<512xi32, #tpu.memory_space<vmem>>) target_semaphore(%arg11 : memref<!tpu.dma_semaphore, #tpu.memory_space<semaphore_mem>>)
    %dma_start3A_164 = arith.constant 18 : i32
    %dma_start3A_165 = arith.constant 9216 : i32
    %dma_start3A_166 = tpu.memref_slice %arg6[%dma_start3A_165] : memref<13312xi32, #tpu.memory_space<vmem>> -> memref<512xi32, #tpu.memory_space<vmem>>
    %dma_start3A_167 = tpu.memref_slice %arg2[%dma_start3A_164, %mul3A_2] : memref<26x16384xi32, #tpu.memory_space<hbm>> -> memref<1x512xi32, #tpu.memory_space<hbm>>
    %dma_start3A_168 = tpu.memref_squeeze %dma_start3A_167 : memref<1x512xi32, #tpu.memory_space<hbm>> -> memref<512xi32, #tpu.memory_space<hbm>>
    %dma_start3A_169 = arith.constant 9216 : i32
    %dma_start3A_170 = tpu.memref_slice %arg6[%dma_start3A_169] : memref<13312xi32, #tpu.memory_space<vmem>> -> memref<512xi32, #tpu.memory_space<vmem>>
    %dma_start3A_171 = tpu.memref_slice %arg2[%dma_start3A_164, %mul3A_2] : memref<26x16384xi32, #tpu.memory_space<hbm>> -> memref<1x512xi32, #tpu.memory_space<hbm>>
    %dma_start3A_172 = tpu.memref_squeeze %dma_start3A_171 : memref<1x512xi32, #tpu.memory_space<hbm>> -> memref<512xi32, #tpu.memory_space<hbm>>
    tpu.enqueue_dma source(%dma_start3A_172 : memref<512xi32, #tpu.memory_space<hbm>>) target(%dma_start3A_170 : memref<512xi32, #tpu.memory_space<vmem>>) target_semaphore(%arg11 : memref<!tpu.dma_semaphore, #tpu.memory_space<semaphore_mem>>)
    %dma_start3A_173 = arith.constant 19 : i32
    %dma_start3A_174 = arith.constant 9728 : i32
    %dma_start3A_175 = tpu.memref_slice %arg6[%dma_start3A_174] : memref<13312xi32, #tpu.memory_space<vmem>> -> memref<512xi32, #tpu.memory_space<vmem>>
    %dma_start3A_176 = tpu.memref_slice %arg2[%dma_start3A_173, %mul3A_2] : memref<26x16384xi32, #tpu.memory_space<hbm>> -> memref<1x512xi32, #tpu.memory_space<hbm>>
    %dma_start3A_177 = tpu.memref_squeeze %dma_start3A_176 : memref<1x512xi32, #tpu.memory_space<hbm>> -> memref<512xi32, #tpu.memory_space<hbm>>
    %dma_start3A_178 = arith.constant 9728 : i32
    %dma_start3A_179 = tpu.memref_slice %arg6[%dma_start3A_178] : memref<13312xi32, #tpu.memory_space<vmem>> -> memref<512xi32, #tpu.memory_space<vmem>>
    %dma_start3A_180 = tpu.memref_slice %arg2[%dma_start3A_173, %mul3A_2] : memref<26x16384xi32, #tpu.memory_space<hbm>> -> memref<1x512xi32, #tpu.memory_space<hbm>>
    %dma_start3A_181 = tpu.memref_squeeze %dma_start3A_180 : memref<1x512xi32, #tpu.memory_space<hbm>> -> memref<512xi32, #tpu.memory_space<hbm>>
    tpu.enqueue_dma source(%dma_start3A_181 : memref<512xi32, #tpu.memory_space<hbm>>) target(%dma_start3A_179 : memref<512xi32, #tpu.memory_space<vmem>>) target_semaphore(%arg11 : memref<!tpu.dma_semaphore, #tpu.memory_space<semaphore_mem>>)
    %dma_start3A_182 = arith.constant 20 : i32
    %dma_start3A_183 = arith.constant 10240 : i32
    %dma_start3A_184 = tpu.memref_slice %arg6[%dma_start3A_183] : memref<13312xi32, #tpu.memory_space<vmem>> -> memref<512xi32, #tpu.memory_space<vmem>>
    %dma_start3A_185 = tpu.memref_slice %arg2[%dma_start3A_182, %mul3A_2] : memref<26x16384xi32, #tpu.memory_space<hbm>> -> memref<1x512xi32, #tpu.memory_space<hbm>>
    %dma_start3A_186 = tpu.memref_squeeze %dma_start3A_185 : memref<1x512xi32, #tpu.memory_space<hbm>> -> memref<512xi32, #tpu.memory_space<hbm>>
    %dma_start3A_187 = arith.constant 10240 : i32
    %dma_start3A_188 = tpu.memref_slice %arg6[%dma_start3A_187] : memref<13312xi32, #tpu.memory_space<vmem>> -> memref<512xi32, #tpu.memory_space<vmem>>
    %dma_start3A_189 = tpu.memref_slice %arg2[%dma_start3A_182, %mul3A_2] : memref<26x16384xi32, #tpu.memory_space<hbm>> -> memref<1x512xi32, #tpu.memory_space<hbm>>
    %dma_start3A_190 = tpu.memref_squeeze %dma_start3A_189 : memref<1x512xi32, #tpu.memory_space<hbm>> -> memref<512xi32, #tpu.memory_space<hbm>>
    tpu.enqueue_dma source(%dma_start3A_190 : memref<512xi32, #tpu.memory_space<hbm>>) target(%dma_start3A_188 : memref<512xi32, #tpu.memory_space<vmem>>) target_semaphore(%arg11 : memref<!tpu.dma_semaphore, #tpu.memory_space<semaphore_mem>>)
    %dma_start3A_191 = arith.constant 21 : i32
    %dma_start3A_192 = arith.constant 10752 : i32
    %dma_start3A_193 = tpu.memref_slice %arg6[%dma_start3A_192] : memref<13312xi32, #tpu.memory_space<vmem>> -> memref<512xi32, #tpu.memory_space<vmem>>
    %dma_start3A_194 = tpu.memref_slice %arg2[%dma_start3A_191, %mul3A_2] : memref<26x16384xi32, #tpu.memory_space<hbm>> -> memref<1x512xi32, #tpu.memory_space<hbm>>
    %dma_start3A_195 = tpu.memref_squeeze %dma_start3A_194 : memref<1x512xi32, #tpu.memory_space<hbm>> -> memref<512xi32, #tpu.memory_space<hbm>>
    %dma_start3A_196 = arith.constant 10752 : i32
    %dma_start3A_197 = tpu.memref_slice %arg6[%dma_start3A_196] : memref<13312xi32, #tpu.memory_space<vmem>> -> memref<512xi32, #tpu.memory_space<vmem>>
    %dma_start3A_198 = tpu.memref_slice %arg2[%dma_start3A_191, %mul3A_2] : memref<26x16384xi32, #tpu.memory_space<hbm>> -> memref<1x512xi32, #tpu.memory_space<hbm>>
    %dma_start3A_199 = tpu.memref_squeeze %dma_start3A_198 : memref<1x512xi32, #tpu.memory_space<hbm>> -> memref<512xi32, #tpu.memory_space<hbm>>
    tpu.enqueue_dma source(%dma_start3A_199 : memref<512xi32, #tpu.memory_space<hbm>>) target(%dma_start3A_197 : memref<512xi32, #tpu.memory_space<vmem>>) target_semaphore(%arg11 : memref<!tpu.dma_semaphore, #tpu.memory_space<semaphore_mem>>)
    %dma_start3A_200 = arith.constant 22 : i32
    %dma_start3A_201 = arith.constant 11264 : i32
    %dma_start3A_202 = tpu.memref_slice %arg6[%dma_start3A_201] : memref<13312xi32, #tpu.memory_space<vmem>> -> memref<512xi32, #tpu.memory_space<vmem>>
    %dma_start3A_203 = tpu.memref_slice %arg2[%dma_start3A_200, %mul3A_2] : memref<26x16384xi32, #tpu.memory_space<hbm>> -> memref<1x512xi32, #tpu.memory_space<hbm>>
    %dma_start3A_204 = tpu.memref_squeeze %dma_start3A_203 : memref<1x512xi32, #tpu.memory_space<hbm>> -> memref<512xi32, #tpu.memory_space<hbm>>
    %dma_start3A_205 = arith.constant 11264 : i32
    %dma_start3A_206 = tpu.memref_slice %arg6[%dma_start3A_205] : memref<13312xi32, #tpu.memory_space<vmem>> -> memref<512xi32, #tpu.memory_space<vmem>>
    %dma_start3A_207 = tpu.memref_slice %arg2[%dma_start3A_200, %mul3A_2] : memref<26x16384xi32, #tpu.memory_space<hbm>> -> memref<1x512xi32, #tpu.memory_space<hbm>>
    %dma_start3A_208 = tpu.memref_squeeze %dma_start3A_207 : memref<1x512xi32, #tpu.memory_space<hbm>> -> memref<512xi32, #tpu.memory_space<hbm>>
    tpu.enqueue_dma source(%dma_start3A_208 : memref<512xi32, #tpu.memory_space<hbm>>) target(%dma_start3A_206 : memref<512xi32, #tpu.memory_space<vmem>>) target_semaphore(%arg11 : memref<!tpu.dma_semaphore, #tpu.memory_space<semaphore_mem>>)
    %dma_start3A_209 = arith.constant 23 : i32
    %dma_start3A_210 = arith.constant 11776 : i32
    %dma_start3A_211 = tpu.memref_slice %arg6[%dma_start3A_210] : memref<13312xi32, #tpu.memory_space<vmem>> -> memref<512xi32, #tpu.memory_space<vmem>>
    %dma_start3A_212 = tpu.memref_slice %arg2[%dma_start3A_209, %mul3A_2] : memref<26x16384xi32, #tpu.memory_space<hbm>> -> memref<1x512xi32, #tpu.memory_space<hbm>>
    %dma_start3A_213 = tpu.memref_squeeze %dma_start3A_212 : memref<1x512xi32, #tpu.memory_space<hbm>> -> memref<512xi32, #tpu.memory_space<hbm>>
    %dma_start3A_214 = arith.constant 11776 : i32
    %dma_start3A_215 = tpu.memref_slice %arg6[%dma_start3A_214] : memref<13312xi32, #tpu.memory_space<vmem>> -> memref<512xi32, #tpu.memory_space<vmem>>
    %dma_start3A_216 = tpu.memref_slice %arg2[%dma_start3A_209, %mul3A_2] : memref<26x16384xi32, #tpu.memory_space<hbm>> -> memref<1x512xi32, #tpu.memory_space<hbm>>
    %dma_start3A_217 = tpu.memref_squeeze %dma_start3A_216 : memref<1x512xi32, #tpu.memory_space<hbm>> -> memref<512xi32, #tpu.memory_space<hbm>>
    tpu.enqueue_dma source(%dma_start3A_217 : memref<512xi32, #tpu.memory_space<hbm>>) target(%dma_start3A_215 : memref<512xi32, #tpu.memory_space<vmem>>) target_semaphore(%arg11 : memref<!tpu.dma_semaphore, #tpu.memory_space<semaphore_mem>>)
    %dma_start3A_218 = arith.constant 24 : i32
    %dma_start3A_219 = arith.constant 12288 : i32
    %dma_start3A_220 = tpu.memref_slice %arg6[%dma_start3A_219] : memref<13312xi32, #tpu.memory_space<vmem>> -> memref<512xi32, #tpu.memory_space<vmem>>
    %dma_start3A_221 = tpu.memref_slice %arg2[%dma_start3A_218, %mul3A_2] : memref<26x16384xi32, #tpu.memory_space<hbm>> -> memref<1x512xi32, #tpu.memory_space<hbm>>
    %dma_start3A_222 = tpu.memref_squeeze %dma_start3A_221 : memref<1x512xi32, #tpu.memory_space<hbm>> -> memref<512xi32, #tpu.memory_space<hbm>>
    %dma_start3A_223 = arith.constant 12288 : i32
    %dma_start3A_224 = tpu.memref_slice %arg6[%dma_start3A_223] : memref<13312xi32, #tpu.memory_space<vmem>> -> memref<512xi32, #tpu.memory_space<vmem>>
    %dma_start3A_225 = tpu.memref_slice %arg2[%dma_start3A_218, %mul3A_2] : memref<26x16384xi32, #tpu.memory_space<hbm>> -> memref<1x512xi32, #tpu.memory_space<hbm>>
    %dma_start3A_226 = tpu.memref_squeeze %dma_start3A_225 : memref<1x512xi32, #tpu.memory_space<hbm>> -> memref<512xi32, #tpu.memory_space<hbm>>
    tpu.enqueue_dma source(%dma_start3A_226 : memref<512xi32, #tpu.memory_space<hbm>>) target(%dma_start3A_224 : memref<512xi32, #tpu.memory_space<vmem>>) target_semaphore(%arg11 : memref<!tpu.dma_semaphore, #tpu.memory_space<semaphore_mem>>)
    %dma_start3A_227 = arith.constant 25 : i32
    %dma_start3A_228 = arith.constant 12800 : i32
    %dma_start3A_229 = tpu.memref_slice %arg6[%dma_start3A_228] : memref<13312xi32, #tpu.memory_space<vmem>> -> memref<512xi32, #tpu.memory_space<vmem>>
    %dma_start3A_230 = tpu.memref_slice %arg2[%dma_start3A_227, %mul3A_2] : memref<26x16384xi32, #tpu.memory_space<hbm>> -> memref<1x512xi32, #tpu.memory_space<hbm>>
    %dma_start3A_231 = tpu.memref_squeeze %dma_start3A_230 : memref<1x512xi32, #tpu.memory_space<hbm>> -> memref<512xi32, #tpu.memory_space<hbm>>
    %dma_start3A_232 = arith.constant 12800 : i32
    %dma_start3A_233 = tpu.memref_slice %arg6[%dma_start3A_232] : memref<13312xi32, #tpu.memory_space<vmem>> -> memref<512xi32, #tpu.memory_space<vmem>>
    %dma_start3A_234 = tpu.memref_slice %arg2[%dma_start3A_227, %mul3A_2] : memref<26x16384xi32, #tpu.memory_space<hbm>> -> memref<1x512xi32, #tpu.memory_space<hbm>>
    %dma_start3A_235 = tpu.memref_squeeze %dma_start3A_234 : memref<1x512xi32, #tpu.memory_space<hbm>> -> memref<512xi32, #tpu.memory_space<hbm>>
    tpu.enqueue_dma source(%dma_start3A_235 : memref<512xi32, #tpu.memory_space<hbm>>) target(%dma_start3A_233 : memref<512xi32, #tpu.memory_space<vmem>>) target_semaphore(%arg11 : memref<!tpu.dma_semaphore, #tpu.memory_space<semaphore_mem>>)
    tpu.enqueue_dma source(%arg4 : memref<16xf32, #tpu.memory_space<hbm>>) target(%arg8 : memref<16xf32, #tpu.memory_space<vmem>>) target_semaphore(%arg12 : memref<!tpu.dma_semaphore, #tpu.memory_space<semaphore_mem>>)
    %mul3A_236 = arith.constant 5120 : i32
    %mul3A_237 = arith.muli %arg1, %mul3A_236 : i32
    %add3A_238 = arith.constant 0 : i32
    %add3A_239 = arith.addi %add3A_238, %mul3A_237 : i32
    %mul3A_240 = arith.constant 5120 : i32
    %mul3A_241 = arith.muli %arg1, %mul3A_240 : i32
    %add3A_242 = arith.constant 0 : i32
    %add3A_243 = arith.addi %add3A_242, %mul3A_241 : i32
    %dma_start3A_244 = arith.constant 0 : i32
    %dma_start3A_245 = tpu.memref_slice %arg10[%add3A_243] : memref<1040000xf32, #tpu.memory_space<vmem_shared>> -> memref<5120xf32, #tpu.memory_space<vmem_shared>>
    %dma_start3A_246 = tpu.memref_slice %arg3[%dma_start3A_244, %add3A_239] : memref<1x1040000xf32, #tpu.memory_space<hbm>> -> memref<1x5120xf32, #tpu.memory_space<hbm>>
    %dma_start3A_247 = tpu.memref_squeeze %dma_start3A_246 : memref<1x5120xf32, #tpu.memory_space<hbm>> -> memref<5120xf32, #tpu.memory_space<hbm>>
    tpu.enqueue_dma source(%dma_start3A_247 : memref<5120xf32, #tpu.memory_space<hbm>>) target(%dma_start3A_245 : memref<5120xf32, #tpu.memory_space<vmem_shared>>) target_semaphore(%arg13 : memref<!tpu.dma_semaphore, #tpu.memory_space<semaphore_mem>>)
    %mul3A_248 = arith.constant 12416 : i32
    %mul3A_249 = arith.muli %arg1, %mul3A_248 : i32
    %add3A_250 = arith.constant 81920 : i32
    %add3A_251 = arith.addi %add3A_250, %mul3A_249 : i32
    %mul3A_252 = arith.constant 12416 : i32
    %mul3A_253 = arith.muli %arg1, %mul3A_252 : i32
    %add3A_254 = arith.constant 81920 : i32
    %add3A_255 = arith.addi %add3A_254, %mul3A_253 : i32
    %dma_start3A_256 = arith.constant 0 : i32
    %dma_start3A_257 = tpu.memref_slice %arg10[%add3A_255] : memref<1040000xf32, #tpu.memory_space<vmem_shared>> -> memref<12416xf32, #tpu.memory_space<vmem_shared>>
    %dma_start3A_258 = tpu.memref_slice %arg3[%dma_start3A_256, %add3A_251] : memref<1x1040000xf32, #tpu.memory_space<hbm>> -> memref<1x12416xf32, #tpu.memory_space<hbm>>
    %dma_start3A_259 = tpu.memref_squeeze %dma_start3A_258 : memref<1x12416xf32, #tpu.memory_space<hbm>> -> memref<12416xf32, #tpu.memory_space<hbm>>
    tpu.enqueue_dma source(%dma_start3A_259 : memref<12416xf32, #tpu.memory_space<hbm>>) target(%dma_start3A_257 : memref<12416xf32, #tpu.memory_space<vmem_shared>>) target_semaphore(%arg14 : memref<!tpu.dma_semaphore, #tpu.memory_space<semaphore_mem>>)
    %mul3A_260 = arith.constant 14976 : i32
    %mul3A_261 = arith.muli %arg1, %mul3A_260 : i32
    %add3A_262 = arith.constant 280576 : i32
    %add3A_263 = arith.addi %add3A_262, %mul3A_261 : i32
    %mul3A_264 = arith.constant 14976 : i32
    %mul3A_265 = arith.muli %arg1, %mul3A_264 : i32
    %add3A_266 = arith.constant 280576 : i32
    %add3A_267 = arith.addi %add3A_266, %mul3A_265 : i32
    %dma_start3A_268 = arith.constant 0 : i32
    %dma_start3A_269 = tpu.memref_slice %arg10[%add3A_267] : memref<1040000xf32, #tpu.memory_space<vmem_shared>> -> memref<14976xf32, #tpu.memory_space<vmem_shared>>
    %dma_start3A_270 = tpu.memref_slice %arg3[%dma_start3A_268, %add3A_263] : memref<1x1040000xf32, #tpu.memory_space<hbm>> -> memref<1x14976xf32, #tpu.memory_space<hbm>>
    %dma_start3A_271 = tpu.memref_squeeze %dma_start3A_270 : memref<1x14976xf32, #tpu.memory_space<hbm>> -> memref<14976xf32, #tpu.memory_space<hbm>>
    tpu.enqueue_dma source(%dma_start3A_271 : memref<14976xf32, #tpu.memory_space<hbm>>) target(%dma_start3A_269 : memref<14976xf32, #tpu.memory_space<vmem_shared>>) target_semaphore(%arg15 : memref<!tpu.dma_semaphore, #tpu.memory_space<semaphore_mem>>)
    %mul3A_272 = arith.constant 17536 : i32
    %mul3A_273 = arith.muli %arg1, %mul3A_272 : i32
    %add3A_274 = arith.constant 520192 : i32
    %add3A_275 = arith.addi %add3A_274, %mul3A_273 : i32
    %mul3A_276 = arith.constant 17536 : i32
    %mul3A_277 = arith.muli %arg1, %mul3A_276 : i32
    %add3A_278 = arith.constant 520192 : i32
    %add3A_279 = arith.addi %add3A_278, %mul3A_277 : i32
    %dma_start3A_280 = arith.constant 0 : i32
    %dma_start3A_281 = tpu.memref_slice %arg10[%add3A_279] : memref<1040000xf32, #tpu.memory_space<vmem_shared>> -> memref<17536xf32, #tpu.memory_space<vmem_shared>>
    %dma_start3A_282 = tpu.memref_slice %arg3[%dma_start3A_280, %add3A_275] : memref<1x1040000xf32, #tpu.memory_space<hbm>> -> memref<1x17536xf32, #tpu.memory_space<hbm>>
    %dma_start3A_283 = tpu.memref_squeeze %dma_start3A_282 : memref<1x17536xf32, #tpu.memory_space<hbm>> -> memref<17536xf32, #tpu.memory_space<hbm>>
    tpu.enqueue_dma source(%dma_start3A_283 : memref<17536xf32, #tpu.memory_space<hbm>>) target(%dma_start3A_281 : memref<17536xf32, #tpu.memory_space<vmem_shared>>) target_semaphore(%arg16 : memref<!tpu.dma_semaphore, #tpu.memory_space<semaphore_mem>>)
    %lt3A = arith.constant 15 : i32
    %lt3A_284 = arith.cmpi slt, %arg1, %lt3A : i32
    %convert_element_type3A = arith.extui %lt3A_284 : i1 to i32
    %cond3A = arith.constant 0 : i32
    %cond3A_285 = arith.cmpi ne, %convert_element_type3A, %cond3A : i32
    scf.if %cond3A_285 {
      %mul3A_454 = arith.constant 14976 : i32
      %mul3A_455 = arith.muli %arg1, %mul3A_454 : i32
      %add3A_456 = arith.constant 800768 : i32
      %add3A_457 = arith.addi %add3A_456, %mul3A_455 : i32
      %mul3A_458 = arith.constant 14976 : i32
      %mul3A_459 = arith.muli %arg1, %mul3A_458 : i32
      %add3A_460 = arith.constant 800768 : i32
      %add3A_461 = arith.addi %add3A_460, %mul3A_459 : i32
      %dma_start3A_462 = arith.constant 0 : i32
      %dma_start3A_463 = tpu.memref_slice %arg10[%add3A_461] : memref<1040000xf32, #tpu.memory_space<vmem_shared>> -> memref<14976xf32, #tpu.memory_space<vmem_shared>>
      %dma_start3A_464 = tpu.memref_slice %arg3[%dma_start3A_462, %add3A_457] : memref<1x1040000xf32, #tpu.memory_space<hbm>> -> memref<1x14976xf32, #tpu.memory_space<hbm>>
      %dma_start3A_465 = tpu.memref_squeeze %dma_start3A_464 : memref<1x14976xf32, #tpu.memory_space<hbm>> -> memref<14976xf32, #tpu.memory_space<hbm>>
      tpu.enqueue_dma source(%dma_start3A_465 : memref<14976xf32, #tpu.memory_space<hbm>>) target(%dma_start3A_463 : memref<14976xf32, #tpu.memory_space<vmem_shared>>) target_semaphore(%arg17 : memref<!tpu.dma_semaphore, #tpu.memory_space<semaphore_mem>>)
    } else {
    }
    %eq3A = arith.constant 15 : i32
    %eq3A_286 = arith.cmpi eq, %arg1, %eq3A : i32
    %convert_element_type3A_287 = arith.extui %eq3A_286 : i1 to i32
    %cond3A_288 = arith.constant 0 : i32
    %cond3A_289 = arith.cmpi ne, %convert_element_type3A_287, %cond3A_288 : i32
    scf.if %cond3A_289 {
      %dma_start3A_454 = arith.constant 0 : i32
      %dma_start3A_455 = arith.constant 1025408 : i32
      %dma_start3A_456 = tpu.memref_slice %arg10[%dma_start3A_455] : memref<1040000xf32, #tpu.memory_space<vmem_shared>> -> memref<14592xf32, #tpu.memory_space<vmem_shared>>
      %dma_start3A_457 = arith.constant 1025408 : i32
      %dma_start3A_458 = tpu.memref_slice %arg3[%dma_start3A_454, %dma_start3A_457] : memref<1x1040000xf32, #tpu.memory_space<hbm>> -> memref<1x14592xf32, #tpu.memory_space<hbm>>
      %dma_start3A_459 = tpu.memref_squeeze %dma_start3A_458 : memref<1x14592xf32, #tpu.memory_space<hbm>> -> memref<14592xf32, #tpu.memory_space<hbm>>
      tpu.enqueue_dma source(%dma_start3A_459 : memref<14592xf32, #tpu.memory_space<hbm>>) target(%dma_start3A_456 : memref<14592xf32, #tpu.memory_space<vmem_shared>>) target_semaphore(%arg17 : memref<!tpu.dma_semaphore, #tpu.memory_space<semaphore_mem>>)
    } else {
    }
    %dma_wait3A = arith.constant 0 : i32
    %dma_wait3A_290 = arith.constant 0 : i32
    %dma_wait3A_291 = tpu.memref_slice %arg2[%dma_wait3A, %dma_wait3A_290] : memref<26x16384xi32, #tpu.memory_space<hbm>> -> memref<1x13312xi32, #tpu.memory_space<hbm>>
    %dma_wait3A_292 = tpu.memref_squeeze %dma_wait3A_291 : memref<1x13312xi32, #tpu.memory_space<hbm>> -> memref<13312xi32, #tpu.memory_space<hbm>>
    %dma_wait3A_293 = arith.constant 0 : i32
    %dma_wait3A_294 = tpu.memref_slice %arg2[%dma_wait3A, %dma_wait3A_293] : memref<26x16384xi32, #tpu.memory_space<hbm>> -> memref<1x13312xi32, #tpu.memory_space<hbm>>
    %dma_wait3A_295 = tpu.memref_squeeze %dma_wait3A_294 : memref<1x13312xi32, #tpu.memory_space<hbm>> -> memref<13312xi32, #tpu.memory_space<hbm>>
    tpu.wait_dma2 semaphore(%arg11 : memref<!tpu.dma_semaphore, #tpu.memory_space<semaphore_mem>>) src(%dma_wait3A_295 : memref<13312xi32, #tpu.memory_space<hbm>>) dst(%arg6 : memref<13312xi32, #tpu.memory_space<vmem>>)
    "tpu.trace_start"() <{level = 10 : i32, message = "idx_add"}> : () -> ()
    %scan3A = arith.constant 0 : i32
    %scan3A_296 = arith.constant 0 : i32
    %scan3A_297 = arith.constant 104 : i32
    %scan3A_298 = arith.addi %scan3A_296, %scan3A_297 : i32
    %scan3A_299 = arith.constant 1 : i32
    scf.for %scan3A_454 = %scan3A_296 to %scan3A_298 step %scan3A_299  : i32 {
      %shift_right_arithmetic3A = arith.constant 2 : i32
      %shift_right_arithmetic3A_455 = arith.shrsi %scan3A_454, %shift_right_arithmetic3A : i32
      %mul3A_456 = arith.constant 40000 : i32
      %mul3A_457 = arith.muli %shift_right_arithmetic3A_455, %mul3A_456 : i32
      %mul3A_458 = arith.constant 128 : i32
      %mul3A_459 = arith.muli %scan3A_454, %mul3A_458 : i32
      %add3A_460 = arith.constant 0 : i32
      %add3A_461 = arith.addi %mul3A_459, %add3A_460 : i32
      %get3A_462 = arith.index_cast %add3A_461 : i32 to index
      %get3A_463 = tpu.vector_load %arg6[%get3A_462] {strides = array<i32>} : memref<13312xi32, #tpu.memory_space<vmem>>, vector<16xi32>,
      %add3A_464 = vector.broadcast %mul3A_457 : i32 to vector<16xi32>
      %add3A_465 = arith.addi %get3A_463, %add3A_464 : vector<16xi32>
      %swap3A = arith.index_cast %add3A_461 : i32 to index
      %swap3A_466 = tpu.vector_load %arg6[%swap3A] {strides = array<i32>} : memref<13312xi32, #tpu.memory_space<vmem>>, vector<16xi32>,
      tpu.vector_store %arg6[%swap3A], %add3A_465 {strides = array<i32>} : memref<13312xi32, #tpu.memory_space<vmem>>, vector<16xi32>,
      %add3A_467 = arith.constant 16 : i32
      %add3A_468 = arith.addi %mul3A_459, %add3A_467 : i32
      %get3A_469 = arith.index_cast %add3A_468 : i32 to index
      %get3A_470 = tpu.vector_load %arg6[%get3A_469] {strides = array<i32>} : memref<13312xi32, #tpu.memory_space<vmem>>, vector<16xi32>,
      %add3A_471 = vector.broadcast %mul3A_457 : i32 to vector<16xi32>
      %add3A_472 = arith.addi %get3A_470, %add3A_471 : vector<16xi32>
      %swap3A_473 = arith.index_cast %add3A_468 : i32 to index
      %swap3A_474 = tpu.vector_load %arg6[%swap3A_473] {strides = array<i32>} : memref<13312xi32, #tpu.memory_space<vmem>>, vector<16xi32>,
      tpu.vector_store %arg6[%swap3A_473], %add3A_472 {strides = array<i32>} : memref<13312xi32, #tpu.memory_space<vmem>>, vector<16xi32>,
      %add3A_475 = arith.constant 32 : i32
      %add3A_476 = arith.addi %mul3A_459, %add3A_475 : i32
      %get3A_477 = arith.index_cast %add3A_476 : i32 to index
      %get3A_478 = tpu.vector_load %arg6[%get3A_477] {strides = array<i32>} : memref<13312xi32, #tpu.memory_space<vmem>>, vector<16xi32>,
      %add3A_479 = vector.broadcast %mul3A_457 : i32 to vector<16xi32>
      %add3A_480 = arith.addi %get3A_478, %add3A_479 : vector<16xi32>
      %swap3A_481 = arith.index_cast %add3A_476 : i32 to index
      %swap3A_482 = tpu.vector_load %arg6[%swap3A_481] {strides = array<i32>} : memref<13312xi32, #tpu.memory_space<vmem>>, vector<16xi32>,
      tpu.vector_store %arg6[%swap3A_481], %add3A_480 {strides = array<i32>} : memref<13312xi32, #tpu.memory_space<vmem>>, vector<16xi32>,
      %add3A_483 = arith.constant 48 : i32
      %add3A_484 = arith.addi %mul3A_459, %add3A_483 : i32
      %get3A_485 = arith.index_cast %add3A_484 : i32 to index
      %get3A_486 = tpu.vector_load %arg6[%get3A_485] {strides = array<i32>} : memref<13312xi32, #tpu.memory_space<vmem>>, vector<16xi32>,
      %add3A_487 = vector.broadcast %mul3A_457 : i32 to vector<16xi32>
      %add3A_488 = arith.addi %get3A_486, %add3A_487 : vector<16xi32>
      %swap3A_489 = arith.index_cast %add3A_484 : i32 to index
      %swap3A_490 = tpu.vector_load %arg6[%swap3A_489] {strides = array<i32>} : memref<13312xi32, #tpu.memory_space<vmem>>, vector<16xi32>,
      tpu.vector_store %arg6[%swap3A_489], %add3A_488 {strides = array<i32>} : memref<13312xi32, #tpu.memory_space<vmem>>, vector<16xi32>,
      %add3A_491 = arith.constant 64 : i32
      %add3A_492 = arith.addi %mul3A_459, %add3A_491 : i32
      %get3A_493 = arith.index_cast %add3A_492 : i32 to index
      %get3A_494 = tpu.vector_load %arg6[%get3A_493] {strides = array<i32>} : memref<13312xi32, #tpu.memory_space<vmem>>, vector<16xi32>,
      %add3A_495 = vector.broadcast %mul3A_457 : i32 to vector<16xi32>
      %add3A_496 = arith.addi %get3A_494, %add3A_495 : vector<16xi32>
      %swap3A_497 = arith.index_cast %add3A_492 : i32 to index
      %swap3A_498 = tpu.vector_load %arg6[%swap3A_497] {strides = array<i32>} : memref<13312xi32, #tpu.memory_space<vmem>>, vector<16xi32>,
      tpu.vector_store %arg6[%swap3A_497], %add3A_496 {strides = array<i32>} : memref<13312xi32, #tpu.memory_space<vmem>>, vector<16xi32>,
      %add3A_499 = arith.constant 80 : i32
      %add3A_500 = arith.addi %mul3A_459, %add3A_499 : i32
      %get3A_501 = arith.index_cast %add3A_500 : i32 to index
      %get3A_502 = tpu.vector_load %arg6[%get3A_501] {strides = array<i32>} : memref<13312xi32, #tpu.memory_space<vmem>>, vector<16xi32>,
      %add3A_503 = vector.broadcast %mul3A_457 : i32 to vector<16xi32>
      %add3A_504 = arith.addi %get3A_502, %add3A_503 : vector<16xi32>
      %swap3A_505 = arith.index_cast %add3A_500 : i32 to index
      %swap3A_506 = tpu.vector_load %arg6[%swap3A_505] {strides = array<i32>} : memref<13312xi32, #tpu.memory_space<vmem>>, vector<16xi32>,
      tpu.vector_store %arg6[%swap3A_505], %add3A_504 {strides = array<i32>} : memref<13312xi32, #tpu.memory_space<vmem>>, vector<16xi32>,
      %add3A_507 = arith.constant 96 : i32
      %add3A_508 = arith.addi %mul3A_459, %add3A_507 : i32
      %get3A_509 = arith.index_cast %add3A_508 : i32 to index
      %get3A_510 = tpu.vector_load %arg6[%get3A_509] {strides = array<i32>} : memref<13312xi32, #tpu.memory_space<vmem>>, vector<16xi32>,
      %add3A_511 = vector.broadcast %mul3A_457 : i32 to vector<16xi32>
      %add3A_512 = arith.addi %get3A_510, %add3A_511 : vector<16xi32>
      %swap3A_513 = arith.index_cast %add3A_508 : i32 to index
      %swap3A_514 = tpu.vector_load %arg6[%swap3A_513] {strides = array<i32>} : memref<13312xi32, #tpu.memory_space<vmem>>, vector<16xi32>,
      tpu.vector_store %arg6[%swap3A_513], %add3A_512 {strides = array<i32>} : memref<13312xi32, #tpu.memory_space<vmem>>, vector<16xi32>,
      %add3A_515 = arith.constant 112 : i32
      %add3A_516 = arith.addi %mul3A_459, %add3A_515 : i32
      %get3A_517 = arith.index_cast %add3A_516 : i32 to index
      %get3A_518 = tpu.vector_load %arg6[%get3A_517] {strides = array<i32>} : memref<13312xi32, #tpu.memory_space<vmem>>, vector<16xi32>,
      %add3A_519 = vector.broadcast %mul3A_457 : i32 to vector<16xi32>
      %add3A_520 = arith.addi %get3A_518, %add3A_519 : vector<16xi32>
      %swap3A_521 = arith.index_cast %add3A_516 : i32 to index
      %swap3A_522 = tpu.vector_load %arg6[%swap3A_521] {strides = array<i32>} : memref<13312xi32, #tpu.memory_space<vmem>>, vector<16xi32>,
      tpu.vector_store %arg6[%swap3A_521], %add3A_520 {strides = array<i32>} : memref<13312xi32, #tpu.memory_space<vmem>>, vector<16xi32>,
    }
    %scan3A_300 = arith.constant 104 : i32
    "tpu.trace_stop"() : () -> ()
    tpu.wait_dma2 semaphore(%arg12 : memref<!tpu.dma_semaphore, #tpu.memory_space<semaphore_mem>>) src(%arg4 : memref<16xf32, #tpu.memory_space<hbm>>) dst(%arg8 : memref<16xf32, #tpu.memory_space<vmem>>)
    %get3A = arith.constant 0 : index
    %get3A_301 = tpu.vector_load %arg8[%get3A] {strides = array<i32>} : memref<16xf32, #tpu.memory_space<vmem>>, vector<16xf32>,
    "tpu.trace_start"() <{level = 10 : i32, message = "fill0_wait"}> : () -> ()
    %mul3A_302 = arith.constant 5120 : i32
    %mul3A_303 = arith.muli %arg1, %mul3A_302 : i32
    %add3A_304 = arith.constant 0 : i32
    %add3A_305 = arith.addi %add3A_304, %mul3A_303 : i32
    %mul3A_306 = arith.constant 5120 : i32
    %mul3A_307 = arith.muli %arg1, %mul3A_306 : i32
    %add3A_308 = arith.constant 0 : i32
    %add3A_309 = arith.addi %add3A_308, %mul3A_307 : i32
    %dma_wait3A_310 = arith.constant 0 : i32
    %dma_wait3A_311 = tpu.memref_slice %arg10[%add3A_309] : memref<1040000xf32, #tpu.memory_space<vmem_shared>> -> memref<5120xf32, #tpu.memory_space<vmem_shared>>
    %dma_wait3A_312 = tpu.memref_slice %arg3[%dma_wait3A_310, %add3A_305] : memref<1x1040000xf32, #tpu.memory_space<hbm>> -> memref<1x5120xf32, #tpu.memory_space<hbm>>
    %dma_wait3A_313 = tpu.memref_squeeze %dma_wait3A_312 : memref<1x5120xf32, #tpu.memory_space<hbm>> -> memref<5120xf32, #tpu.memory_space<hbm>>
    tpu.wait_dma2 semaphore(%arg13 : memref<!tpu.dma_semaphore, #tpu.memory_space<semaphore_mem>>) src(%dma_wait3A_313 : memref<5120xf32, #tpu.memory_space<hbm>>) dst(%dma_wait3A_311 : memref<5120xf32, #tpu.memory_space<vmem_shared>>)
    %barrier3A = arith.constant 0 : index
    tpu.barrier barrier_id(%barrier3A)
    "tpu.trace_stop"() : () -> ()
    "tpu.trace_start"() <{level = 10 : i32, message = "gather0_start"}> : () -> ()
    %dma_start3A_314 = arith.constant 0 : i32
    %dma_start3A_315 = tpu.memref_slice %arg7[%dma_start3A_314] : memref<13312xf32, #tpu.memory_space<vmem>> -> memref<1024xf32, #tpu.memory_space<vmem>>
    %dma_start3A_316 = arith.constant 0 : i32
    %dma_start3A_317 = tpu.memref_slice %arg6[%dma_start3A_316] : memref<13312xi32, #tpu.memory_space<vmem>> -> memref<1024xi32, #tpu.memory_space<vmem>>
    %dma_start3A_318 = arith.constant 0 : i32
    %dma_start3A_319 = tpu.memref_slice %arg10[%dma_start3A_318] : memref<1040000xf32, #tpu.memory_space<vmem_shared>> -> memref<1040000xf32, #tpu.memory_space<vmem_shared>>
    tpu.enqueue_indirect_dma source(%dma_start3A_319 : memref<1040000xf32, #tpu.memory_space<vmem_shared>>) target(%dma_start3A_315 : memref<1024xf32, #tpu.memory_space<vmem>>) offsets(%dma_start3A_317 : memref<1024xi32, #tpu.memory_space<vmem>>) semaphore(%arg18 : memref<!tpu.dma_semaphore, #tpu.memory_space<semaphore_mem>>)
    "tpu.trace_stop"() : () -> ()
    "tpu.trace_start"() <{level = 10 : i32, message = "fill1_wait"}> : () -> ()
    %mul3A_320 = arith.constant 12416 : i32
    %mul3A_321 = arith.muli %arg1, %mul3A_320 : i32
    %add3A_322 = arith.constant 81920 : i32
    %add3A_323 = arith.addi %add3A_322, %mul3A_321 : i32
    %mul3A_324 = arith.constant 12416 : i32
    %mul3A_325 = arith.muli %arg1, %mul3A_324 : i32
    %add3A_326 = arith.constant 81920 : i32
    %add3A_327 = arith.addi %add3A_326, %mul3A_325 : i32
    %dma_wait3A_328 = arith.constant 0 : i32
    %dma_wait3A_329 = tpu.memref_slice %arg10[%add3A_327] : memref<1040000xf32, #tpu.memory_space<vmem_shared>> -> memref<12416xf32, #tpu.memory_space<vmem_shared>>
    %dma_wait3A_330 = tpu.memref_slice %arg3[%dma_wait3A_328, %add3A_323] : memref<1x1040000xf32, #tpu.memory_space<hbm>> -> memref<1x12416xf32, #tpu.memory_space<hbm>>
    %dma_wait3A_331 = tpu.memref_squeeze %dma_wait3A_330 : memref<1x12416xf32, #tpu.memory_space<hbm>> -> memref<12416xf32, #tpu.memory_space<hbm>>
    tpu.wait_dma2 semaphore(%arg14 : memref<!tpu.dma_semaphore, #tpu.memory_space<semaphore_mem>>) src(%dma_wait3A_331 : memref<12416xf32, #tpu.memory_space<hbm>>) dst(%dma_wait3A_329 : memref<12416xf32, #tpu.memory_space<vmem_shared>>)
    %barrier3A_332 = arith.constant 0 : index
    tpu.barrier barrier_id(%barrier3A_332)
    "tpu.trace_stop"() : () -> ()
    "tpu.trace_start"() <{level = 10 : i32, message = "gather1_start"}> : () -> ()
    %dma_start3A_333 = arith.constant 1024 : i32
    %dma_start3A_334 = tpu.memref_slice %arg7[%dma_start3A_333] : memref<13312xf32, #tpu.memory_space<vmem>> -> memref<2560xf32, #tpu.memory_space<vmem>>
    %dma_start3A_335 = arith.constant 1024 : i32
    %dma_start3A_336 = tpu.memref_slice %arg6[%dma_start3A_335] : memref<13312xi32, #tpu.memory_space<vmem>> -> memref<2560xi32, #tpu.memory_space<vmem>>
    %dma_start3A_337 = arith.constant 0 : i32
    %dma_start3A_338 = tpu.memref_slice %arg10[%dma_start3A_337] : memref<1040000xf32, #tpu.memory_space<vmem_shared>> -> memref<1040000xf32, #tpu.memory_space<vmem_shared>>
    tpu.enqueue_indirect_dma source(%dma_start3A_338 : memref<1040000xf32, #tpu.memory_space<vmem_shared>>) target(%dma_start3A_334 : memref<2560xf32, #tpu.memory_space<vmem>>) offsets(%dma_start3A_336 : memref<2560xi32, #tpu.memory_space<vmem>>) semaphore(%arg19 : memref<!tpu.dma_semaphore, #tpu.memory_space<semaphore_mem>>)
    "tpu.trace_stop"() : () -> ()
    "tpu.trace_start"() <{level = 10 : i32, message = "gather0_wait"}> : () -> ()
    %dma_wait3A_339 = arith.constant 0 : i32
    %dma_wait3A_340 = tpu.memref_slice %arg7[%dma_wait3A_339] : memref<13312xf32, #tpu.memory_space<vmem>> -> memref<1024xf32, #tpu.memory_space<vmem>>
    %dma_wait3A_341 = arith.constant 0 : i32
    %dma_wait3A_342 = tpu.memref_slice %arg6[%dma_wait3A_341] : memref<13312xi32, #tpu.memory_space<vmem>> -> memref<1024xi32, #tpu.memory_space<vmem>>
    %dma_wait3A_343 = arith.constant 0 : i32
    %dma_wait3A_344 = tpu.memref_slice %arg10[%dma_wait3A_343] : memref<1040000xf32, #tpu.memory_space<vmem_shared>> -> memref<1040000xf32, #tpu.memory_space<vmem_shared>>
    tpu.wait_indirect_dma semaphore(%arg18 : memref<!tpu.dma_semaphore, #tpu.memory_space<semaphore_mem>>) src(%dma_wait3A_344 : memref<1040000xf32, #tpu.memory_space<vmem_shared>>) dst(%dma_wait3A_340 : memref<1024xf32, #tpu.memory_space<vmem>>)
    "tpu.trace_stop"() : () -> ()
    "tpu.trace_start"() <{level = 10 : i32, message = "reduce0"}> : () -> ()
    %scan3A_345 = arith.constant 0 : i32
    %scan3A_346 = arith.constant 0 : i32
    %scan3A_347 = arith.constant 32 : i32
    %scan3A_348 = arith.addi %scan3A_346, %scan3A_347 : i32
    %scan3A_349 = arith.constant 1 : i32
    scf.for %scan3A_454 = %scan3A_346 to %scan3A_348 step %scan3A_349  : i32 {
      %mul3A_455 = arith.constant 16 : i32
      %mul3A_456 = arith.muli %scan3A_454, %mul3A_455 : i32
      %add3A_457 = arith.constant 0 : i32
      %add3A_458 = arith.addi %add3A_457, %mul3A_456 : i32
      %get3A_459 = arith.index_cast %add3A_458 : i32 to index
      %get3A_460 = tpu.vector_load %arg7[%get3A_459] {strides = array<i32>} : memref<13312xf32, #tpu.memory_space<vmem>>, vector<16xf32>,
      %add3A_461 = arith.addf %get3A_301, %get3A_460 : vector<16xf32>
      %add3A_462 = arith.constant 512 : i32
      %add3A_463 = arith.addi %add3A_462, %mul3A_456 : i32
      %get3A_464 = arith.index_cast %add3A_463 : i32 to index
      %get3A_465 = tpu.vector_load %arg7[%get3A_464] {strides = array<i32>} : memref<13312xf32, #tpu.memory_space<vmem>>, vector<16xf32>,
      %add3A_466 = arith.addf %add3A_461, %get3A_465 : vector<16xf32>
      %swap3A = arith.index_cast %mul3A_456 : i32 to index
      %swap3A_467 = tpu.vector_load %arg9[%swap3A] {strides = array<i32>} : memref<512xf32, #tpu.memory_space<vmem>>, vector<16xf32>,
      tpu.vector_store %arg9[%swap3A], %add3A_466 {strides = array<i32>} : memref<512xf32, #tpu.memory_space<vmem>>, vector<16xf32>,
    }
    %scan3A_350 = arith.constant 32 : i32
    "tpu.trace_stop"() : () -> ()
    "tpu.trace_start"() <{level = 10 : i32, message = "fill2_wait"}> : () -> ()
    %mul3A_351 = arith.constant 14976 : i32
    %mul3A_352 = arith.muli %arg1, %mul3A_351 : i32
    %add3A_353 = arith.constant 280576 : i32
    %add3A_354 = arith.addi %add3A_353, %mul3A_352 : i32
    %mul3A_355 = arith.constant 14976 : i32
    %mul3A_356 = arith.muli %arg1, %mul3A_355 : i32
    %add3A_357 = arith.constant 280576 : i32
    %add3A_358 = arith.addi %add3A_357, %mul3A_356 : i32
    %dma_wait3A_359 = arith.constant 0 : i32
    %dma_wait3A_360 = tpu.memref_slice %arg10[%add3A_358] : memref<1040000xf32, #tpu.memory_space<vmem_shared>> -> memref<14976xf32, #tpu.memory_space<vmem_shared>>
    %dma_wait3A_361 = tpu.memref_slice %arg3[%dma_wait3A_359, %add3A_354] : memref<1x1040000xf32, #tpu.memory_space<hbm>> -> memref<1x14976xf32, #tpu.memory_space<hbm>>
    %dma_wait3A_362 = tpu.memref_squeeze %dma_wait3A_361 : memref<1x14976xf32, #tpu.memory_space<hbm>> -> memref<14976xf32, #tpu.memory_space<hbm>>
    tpu.wait_dma2 semaphore(%arg15 : memref<!tpu.dma_semaphore, #tpu.memory_space<semaphore_mem>>) src(%dma_wait3A_362 : memref<14976xf32, #tpu.memory_space<hbm>>) dst(%dma_wait3A_360 : memref<14976xf32, #tpu.memory_space<vmem_shared>>)
    %barrier3A_363 = arith.constant 0 : index
    tpu.barrier barrier_id(%barrier3A_363)
    "tpu.trace_stop"() : () -> ()
    "tpu.trace_start"() <{level = 10 : i32, message = "gather2_start"}> : () -> ()
    %dma_start3A_364 = arith.constant 3584 : i32
    %dma_start3A_365 = tpu.memref_slice %arg7[%dma_start3A_364] : memref<13312xf32, #tpu.memory_space<vmem>> -> memref<3072xf32, #tpu.memory_space<vmem>>
    %dma_start3A_366 = arith.constant 3584 : i32
    %dma_start3A_367 = tpu.memref_slice %arg6[%dma_start3A_366] : memref<13312xi32, #tpu.memory_space<vmem>> -> memref<3072xi32, #tpu.memory_space<vmem>>
    %dma_start3A_368 = arith.constant 0 : i32
    %dma_start3A_369 = tpu.memref_slice %arg10[%dma_start3A_368] : memref<1040000xf32, #tpu.memory_space<vmem_shared>> -> memref<1040000xf32, #tpu.memory_space<vmem_shared>>
    tpu.enqueue_indirect_dma source(%dma_start3A_369 : memref<1040000xf32, #tpu.memory_space<vmem_shared>>) target(%dma_start3A_365 : memref<3072xf32, #tpu.memory_space<vmem>>) offsets(%dma_start3A_367 : memref<3072xi32, #tpu.memory_space<vmem>>) semaphore(%arg20 : memref<!tpu.dma_semaphore, #tpu.memory_space<semaphore_mem>>)
    "tpu.trace_stop"() : () -> ()
    "tpu.trace_start"() <{level = 10 : i32, message = "gather1_wait"}> : () -> ()
    %dma_wait3A_370 = arith.constant 1024 : i32
    %dma_wait3A_371 = tpu.memref_slice %arg7[%dma_wait3A_370] : memref<13312xf32, #tpu.memory_space<vmem>> -> memref<2560xf32, #tpu.memory_space<vmem>>
    %dma_wait3A_372 = arith.constant 1024 : i32
    %dma_wait3A_373 = tpu.memref_slice %arg6[%dma_wait3A_372] : memref<13312xi32, #tpu.memory_space<vmem>> -> memref<2560xi32, #tpu.memory_space<vmem>>
    %dma_wait3A_374 = arith.constant 0 : i32
    %dma_wait3A_375 = tpu.memref_slice %arg10[%dma_wait3A_374] : memref<1040000xf32, #tpu.memory_space<vmem_shared>> -> memref<1040000xf32, #tpu.memory_space<vmem_shared>>
    tpu.wait_indirect_dma semaphore(%arg19 : memref<!tpu.dma_semaphore, #tpu.memory_space<semaphore_mem>>) src(%dma_wait3A_375 : memref<1040000xf32, #tpu.memory_space<vmem_shared>>) dst(%dma_wait3A_371 : memref<2560xf32, #tpu.memory_space<vmem>>)
    "tpu.trace_stop"() : () -> ()
    "tpu.trace_start"() <{level = 10 : i32, message = "reduce1"}> : () -> ()
    %scan3A_376 = arith.constant 0 : i32
    %scan3A_377 = arith.constant 0 : i32
    %scan3A_378 = arith.constant 32 : i32
    %scan3A_379 = arith.addi %scan3A_377, %scan3A_378 : i32
    %scan3A_380 = arith.constant 1 : i32
    scf.for %scan3A_454 = %scan3A_377 to %scan3A_379 step %scan3A_380  : i32 {
      %mul3A_455 = arith.constant 16 : i32
      %mul3A_456 = arith.muli %scan3A_454, %mul3A_455 : i32
      %get3A_457 = arith.index_cast %mul3A_456 : i32 to index
      %get3A_458 = tpu.vector_load %arg9[%get3A_457] {strides = array<i32>} : memref<512xf32, #tpu.memory_space<vmem>>, vector<16xf32>,
      %add3A_459 = arith.constant 1024 : i32
      %add3A_460 = arith.addi %add3A_459, %mul3A_456 : i32
      %get3A_461 = arith.index_cast %add3A_460 : i32 to index
      %get3A_462 = tpu.vector_load %arg7[%get3A_461] {strides = array<i32>} : memref<13312xf32, #tpu.memory_space<vmem>>, vector<16xf32>,
      %add3A_463 = arith.addf %get3A_458, %get3A_462 : vector<16xf32>
      %add3A_464 = arith.constant 1536 : i32
      %add3A_465 = arith.addi %add3A_464, %mul3A_456 : i32
      %get3A_466 = arith.index_cast %add3A_465 : i32 to index
      %get3A_467 = tpu.vector_load %arg7[%get3A_466] {strides = array<i32>} : memref<13312xf32, #tpu.memory_space<vmem>>, vector<16xf32>,
      %add3A_468 = arith.addf %add3A_463, %get3A_467 : vector<16xf32>
      %add3A_469 = arith.constant 2048 : i32
      %add3A_470 = arith.addi %add3A_469, %mul3A_456 : i32
      %get3A_471 = arith.index_cast %add3A_470 : i32 to index
      %get3A_472 = tpu.vector_load %arg7[%get3A_471] {strides = array<i32>} : memref<13312xf32, #tpu.memory_space<vmem>>, vector<16xf32>,
      %add3A_473 = arith.addf %add3A_468, %get3A_472 : vector<16xf32>
      %add3A_474 = arith.constant 2560 : i32
      %add3A_475 = arith.addi %add3A_474, %mul3A_456 : i32
      %get3A_476 = arith.index_cast %add3A_475 : i32 to index
      %get3A_477 = tpu.vector_load %arg7[%get3A_476] {strides = array<i32>} : memref<13312xf32, #tpu.memory_space<vmem>>, vector<16xf32>,
      %add3A_478 = arith.addf %add3A_473, %get3A_477 : vector<16xf32>
      %add3A_479 = arith.constant 3072 : i32
      %add3A_480 = arith.addi %add3A_479, %mul3A_456 : i32
      %get3A_481 = arith.index_cast %add3A_480 : i32 to index
      %get3A_482 = tpu.vector_load %arg7[%get3A_481] {strides = array<i32>} : memref<13312xf32, #tpu.memory_space<vmem>>, vector<16xf32>,
      %add3A_483 = arith.addf %add3A_478, %get3A_482 : vector<16xf32>
      %swap3A = arith.index_cast %mul3A_456 : i32 to index
      %swap3A_484 = tpu.vector_load %arg9[%swap3A] {strides = array<i32>} : memref<512xf32, #tpu.memory_space<vmem>>, vector<16xf32>,
      tpu.vector_store %arg9[%swap3A], %add3A_483 {strides = array<i32>} : memref<512xf32, #tpu.memory_space<vmem>>, vector<16xf32>,
    }
    %scan3A_381 = arith.constant 32 : i32
    "tpu.trace_stop"() : () -> ()
    "tpu.trace_start"() <{level = 10 : i32, message = "fill3_wait"}> : () -> ()
    %mul3A_382 = arith.constant 17536 : i32
    %mul3A_383 = arith.muli %arg1, %mul3A_382 : i32
    %add3A_384 = arith.constant 520192 : i32
    %add3A_385 = arith.addi %add3A_384, %mul3A_383 : i32
    %mul3A_386 = arith.constant 17536 : i32
    %mul3A_387 = arith.muli %arg1, %mul3A_386 : i32
    %add3A_388 = arith.constant 520192 : i32
    %add3A_389 = arith.addi %add3A_388, %mul3A_387 : i32
    %dma_wait3A_390 = arith.constant 0 : i32
    %dma_wait3A_391 = tpu.memref_slice %arg10[%add3A_389] : memref<1040000xf32, #tpu.memory_space<vmem_shared>> -> memref<17536xf32, #tpu.memory_space<vmem_shared>>
    %dma_wait3A_392 = tpu.memref_slice %arg3[%dma_wait3A_390, %add3A_385] : memref<1x1040000xf32, #tpu.memory_space<hbm>> -> memref<1x17536xf32, #tpu.memory_space<hbm>>
    %dma_wait3A_393 = tpu.memref_squeeze %dma_wait3A_392 : memref<1x17536xf32, #tpu.memory_space<hbm>> -> memref<17536xf32, #tpu.memory_space<hbm>>
    tpu.wait_dma2 semaphore(%arg16 : memref<!tpu.dma_semaphore, #tpu.memory_space<semaphore_mem>>) src(%dma_wait3A_393 : memref<17536xf32, #tpu.memory_space<hbm>>) dst(%dma_wait3A_391 : memref<17536xf32, #tpu.memory_space<vmem_shared>>)
    %barrier3A_394 = arith.constant 0 : index
    tpu.barrier barrier_id(%barrier3A_394)
    "tpu.trace_stop"() : () -> ()
    "tpu.trace_start"() <{level = 10 : i32, message = "gather3_start"}> : () -> ()
    %dma_start3A_395 = arith.constant 6656 : i32
    %dma_start3A_396 = tpu.memref_slice %arg7[%dma_start3A_395] : memref<13312xf32, #tpu.memory_space<vmem>> -> memref<3584xf32, #tpu.memory_space<vmem>>
    %dma_start3A_397 = arith.constant 6656 : i32
    %dma_start3A_398 = tpu.memref_slice %arg6[%dma_start3A_397] : memref<13312xi32, #tpu.memory_space<vmem>> -> memref<3584xi32, #tpu.memory_space<vmem>>
    %dma_start3A_399 = arith.constant 0 : i32
    %dma_start3A_400 = tpu.memref_slice %arg10[%dma_start3A_399] : memref<1040000xf32, #tpu.memory_space<vmem_shared>> -> memref<1040000xf32, #tpu.memory_space<vmem_shared>>
    tpu.enqueue_indirect_dma source(%dma_start3A_400 : memref<1040000xf32, #tpu.memory_space<vmem_shared>>) target(%dma_start3A_396 : memref<3584xf32, #tpu.memory_space<vmem>>) offsets(%dma_start3A_398 : memref<3584xi32, #tpu.memory_space<vmem>>) semaphore(%arg21 : memref<!tpu.dma_semaphore, #tpu.memory_space<semaphore_mem>>)
    "tpu.trace_stop"() : () -> ()
    "tpu.trace_start"() <{level = 10 : i32, message = "gather2_wait"}> : () -> ()
    %dma_wait3A_401 = arith.constant 3584 : i32
    %dma_wait3A_402 = tpu.memref_slice %arg7[%dma_wait3A_401] : memref<13312xf32, #tpu.memory_space<vmem>> -> memref<3072xf32, #tpu.memory_space<vmem>>
    %dma_wait3A_403 = arith.constant 3584 : i32
    %dma_wait3A_404 = tpu.memref_slice %arg6[%dma_wait3A_403] : memref<13312xi32, #tpu.memory_space<vmem>> -> memref<3072xi32, #tpu.memory_space<vmem>>
    %dma_wait3A_405 = arith.constant 0 : i32
    %dma_wait3A_406 = tpu.memref_slice %arg10[%dma_wait3A_405] : memref<1040000xf32, #tpu.memory_space<vmem_shared>> -> memref<1040000xf32, #tpu.memory_space<vmem_shared>>
    tpu.wait_indirect_dma semaphore(%arg20 : memref<!tpu.dma_semaphore, #tpu.memory_space<semaphore_mem>>) src(%dma_wait3A_406 : memref<1040000xf32, #tpu.memory_space<vmem_shared>>) dst(%dma_wait3A_402 : memref<3072xf32, #tpu.memory_space<vmem>>)
    "tpu.trace_stop"() : () -> ()
    "tpu.trace_start"() <{level = 10 : i32, message = "reduce2"}> : () -> ()
    %scan3A_407 = arith.constant 0 : i32
    %scan3A_408 = arith.constant 0 : i32
    %scan3A_409 = arith.constant 32 : i32
    %scan3A_410 = arith.addi %scan3A_408, %scan3A_409 : i32
    %scan3A_411 = arith.constant 1 : i32
    scf.for %scan3A_454 = %scan3A_408 to %scan3A_410 step %scan3A_411  : i32 {
      %mul3A_455 = arith.constant 16 : i32
      %mul3A_456 = arith.muli %scan3A_454, %mul3A_455 : i32
      %get3A_457 = arith.index_cast %mul3A_456 : i32 to index
      %get3A_458 = tpu.vector_load %arg9[%get3A_457] {strides = array<i32>} : memref<512xf32, #tpu.memory_space<vmem>>, vector<16xf32>,
      %add3A_459 = arith.constant 3584 : i32
      %add3A_460 = arith.addi %add3A_459, %mul3A_456 : i32
      %get3A_461 = arith.index_cast %add3A_460 : i32 to index
      %get3A_462 = tpu.vector_load %arg7[%get3A_461] {strides = array<i32>} : memref<13312xf32, #tpu.memory_space<vmem>>, vector<16xf32>,
      %add3A_463 = arith.addf %get3A_458, %get3A_462 : vector<16xf32>
      %add3A_464 = arith.constant 4096 : i32
      %add3A_465 = arith.addi %add3A_464, %mul3A_456 : i32
      %get3A_466 = arith.index_cast %add3A_465 : i32 to index
      %get3A_467 = tpu.vector_load %arg7[%get3A_466] {strides = array<i32>} : memref<13312xf32, #tpu.memory_space<vmem>>, vector<16xf32>,
      %add3A_468 = arith.addf %add3A_463, %get3A_467 : vector<16xf32>
      %add3A_469 = arith.constant 4608 : i32
      %add3A_470 = arith.addi %add3A_469, %mul3A_456 : i32
      %get3A_471 = arith.index_cast %add3A_470 : i32 to index
      %get3A_472 = tpu.vector_load %arg7[%get3A_471] {strides = array<i32>} : memref<13312xf32, #tpu.memory_space<vmem>>, vector<16xf32>,
      %add3A_473 = arith.addf %add3A_468, %get3A_472 : vector<16xf32>
      %add3A_474 = arith.constant 5120 : i32
      %add3A_475 = arith.addi %add3A_474, %mul3A_456 : i32
      %get3A_476 = arith.index_cast %add3A_475 : i32 to index
      %get3A_477 = tpu.vector_load %arg7[%get3A_476] {strides = array<i32>} : memref<13312xf32, #tpu.memory_space<vmem>>, vector<16xf32>,
      %add3A_478 = arith.addf %add3A_473, %get3A_477 : vector<16xf32>
      %add3A_479 = arith.constant 5632 : i32
      %add3A_480 = arith.addi %add3A_479, %mul3A_456 : i32
      %get3A_481 = arith.index_cast %add3A_480 : i32 to index
      %get3A_482 = tpu.vector_load %arg7[%get3A_481] {strides = array<i32>} : memref<13312xf32, #tpu.memory_space<vmem>>, vector<16xf32>,
      %add3A_483 = arith.addf %add3A_478, %get3A_482 : vector<16xf32>
      %add3A_484 = arith.constant 6144 : i32
      %add3A_485 = arith.addi %add3A_484, %mul3A_456 : i32
      %get3A_486 = arith.index_cast %add3A_485 : i32 to index
      %get3A_487 = tpu.vector_load %arg7[%get3A_486] {strides = array<i32>} : memref<13312xf32, #tpu.memory_space<vmem>>, vector<16xf32>,
      %add3A_488 = arith.addf %add3A_483, %get3A_487 : vector<16xf32>
      %swap3A = arith.index_cast %mul3A_456 : i32 to index
      %swap3A_489 = tpu.vector_load %arg9[%swap3A] {strides = array<i32>} : memref<512xf32, #tpu.memory_space<vmem>>, vector<16xf32>,
      tpu.vector_store %arg9[%swap3A], %add3A_488 {strides = array<i32>} : memref<512xf32, #tpu.memory_space<vmem>>, vector<16xf32>,
    }
    %scan3A_412 = arith.constant 32 : i32
    %lt3A_413 = arith.constant 15 : i32
    "tpu.trace_stop"() : () -> ()
    "tpu.trace_start"() <{level = 10 : i32, message = "fill4_wait"}> : () -> ()
    %lt3A_414 = arith.cmpi slt, %arg1, %lt3A_413 : i32
    %convert_element_type3A_415 = arith.extui %lt3A_414 : i1 to i32
    %cond3A_416 = arith.constant 0 : i32
    %cond3A_417 = arith.cmpi ne, %convert_element_type3A_415, %cond3A_416 : i32
    scf.if %cond3A_417 {
      %mul3A_454 = arith.constant 14976 : i32
      %mul3A_455 = arith.muli %arg1, %mul3A_454 : i32
      %add3A_456 = arith.constant 800768 : i32
      %add3A_457 = arith.addi %add3A_456, %mul3A_455 : i32
      %mul3A_458 = arith.constant 14976 : i32
      %mul3A_459 = arith.muli %arg1, %mul3A_458 : i32
      %add3A_460 = arith.constant 800768 : i32
      %add3A_461 = arith.addi %add3A_460, %mul3A_459 : i32
      %dma_wait3A_462 = arith.constant 0 : i32
      %dma_wait3A_463 = tpu.memref_slice %arg10[%add3A_461] : memref<1040000xf32, #tpu.memory_space<vmem_shared>> -> memref<14976xf32, #tpu.memory_space<vmem_shared>>
      %dma_wait3A_464 = tpu.memref_slice %arg3[%dma_wait3A_462, %add3A_457] : memref<1x1040000xf32, #tpu.memory_space<hbm>> -> memref<1x14976xf32, #tpu.memory_space<hbm>>
      %dma_wait3A_465 = tpu.memref_squeeze %dma_wait3A_464 : memref<1x14976xf32, #tpu.memory_space<hbm>> -> memref<14976xf32, #tpu.memory_space<hbm>>
      tpu.wait_dma2 semaphore(%arg17 : memref<!tpu.dma_semaphore, #tpu.memory_space<semaphore_mem>>) src(%dma_wait3A_465 : memref<14976xf32, #tpu.memory_space<hbm>>) dst(%dma_wait3A_463 : memref<14976xf32, #tpu.memory_space<vmem_shared>>)
    } else {
    }
    %eq3A_418 = arith.constant 15 : i32
    %eq3A_419 = arith.cmpi eq, %arg1, %eq3A_418 : i32
    %convert_element_type3A_420 = arith.extui %eq3A_419 : i1 to i32
    %cond3A_421 = arith.constant 0 : i32
    %cond3A_422 = arith.cmpi ne, %convert_element_type3A_420, %cond3A_421 : i32
    scf.if %cond3A_422 {
      %dma_wait3A_454 = arith.constant 0 : i32
      %dma_wait3A_455 = arith.constant 1025408 : i32
      %dma_wait3A_456 = tpu.memref_slice %arg10[%dma_wait3A_455] : memref<1040000xf32, #tpu.memory_space<vmem_shared>> -> memref<14592xf32, #tpu.memory_space<vmem_shared>>
      %dma_wait3A_457 = arith.constant 1025408 : i32
      %dma_wait3A_458 = tpu.memref_slice %arg3[%dma_wait3A_454, %dma_wait3A_457] : memref<1x1040000xf32, #tpu.memory_space<hbm>> -> memref<1x14592xf32, #tpu.memory_space<hbm>>
      %dma_wait3A_459 = tpu.memref_squeeze %dma_wait3A_458 : memref<1x14592xf32, #tpu.memory_space<hbm>> -> memref<14592xf32, #tpu.memory_space<hbm>>
      tpu.wait_dma2 semaphore(%arg17 : memref<!tpu.dma_semaphore, #tpu.memory_space<semaphore_mem>>) src(%dma_wait3A_459 : memref<14592xf32, #tpu.memory_space<hbm>>) dst(%dma_wait3A_456 : memref<14592xf32, #tpu.memory_space<vmem_shared>>)
    } else {
    }
    %barrier3A_423 = arith.constant 0 : index
    tpu.barrier barrier_id(%barrier3A_423)
    "tpu.trace_stop"() : () -> ()
    "tpu.trace_start"() <{level = 10 : i32, message = "gather4_start"}> : () -> ()
    %dma_start3A_424 = arith.constant 10240 : i32
    %dma_start3A_425 = tpu.memref_slice %arg7[%dma_start3A_424] : memref<13312xf32, #tpu.memory_space<vmem>> -> memref<3072xf32, #tpu.memory_space<vmem>>
    %dma_start3A_426 = arith.constant 10240 : i32
    %dma_start3A_427 = tpu.memref_slice %arg6[%dma_start3A_426] : memref<13312xi32, #tpu.memory_space<vmem>> -> memref<3072xi32, #tpu.memory_space<vmem>>
    %dma_start3A_428 = arith.constant 0 : i32
    %dma_start3A_429 = tpu.memref_slice %arg10[%dma_start3A_428] : memref<1040000xf32, #tpu.memory_space<vmem_shared>> -> memref<1040000xf32, #tpu.memory_space<vmem_shared>>
    tpu.enqueue_indirect_dma source(%dma_start3A_429 : memref<1040000xf32, #tpu.memory_space<vmem_shared>>) target(%dma_start3A_425 : memref<3072xf32, #tpu.memory_space<vmem>>) offsets(%dma_start3A_427 : memref<3072xi32, #tpu.memory_space<vmem>>) semaphore(%arg22 : memref<!tpu.dma_semaphore, #tpu.memory_space<semaphore_mem>>)
    "tpu.trace_stop"() : () -> ()
    "tpu.trace_start"() <{level = 10 : i32, message = "gather3_wait"}> : () -> ()
    %dma_wait3A_430 = arith.constant 6656 : i32
    %dma_wait3A_431 = tpu.memref_slice %arg7[%dma_wait3A_430] : memref<13312xf32, #tpu.memory_space<vmem>> -> memref<3584xf32, #tpu.memory_space<vmem>>
    %dma_wait3A_432 = arith.constant 6656 : i32
    %dma_wait3A_433 = tpu.memref_slice %arg6[%dma_wait3A_432] : memref<13312xi32, #tpu.memory_space<vmem>> -> memref<3584xi32, #tpu.memory_space<vmem>>
    %dma_wait3A_434 = arith.constant 0 : i32
    %dma_wait3A_435 = tpu.memref_slice %arg10[%dma_wait3A_434] : memref<1040000xf32, #tpu.memory_space<vmem_shared>> -> memref<1040000xf32, #tpu.memory_space<vmem_shared>>
    tpu.wait_indirect_dma semaphore(%arg21 : memref<!tpu.dma_semaphore, #tpu.memory_space<semaphore_mem>>) src(%dma_wait3A_435 : memref<1040000xf32, #tpu.memory_space<vmem_shared>>) dst(%dma_wait3A_431 : memref<3584xf32, #tpu.memory_space<vmem>>)
    "tpu.trace_stop"() : () -> ()
    "tpu.trace_start"() <{level = 10 : i32, message = "reduce3"}> : () -> ()
    %scan3A_436 = arith.constant 0 : i32
    %scan3A_437 = arith.constant 0 : i32
    %scan3A_438 = arith.constant 32 : i32
    %scan3A_439 = arith.addi %scan3A_437, %scan3A_438 : i32
    %scan3A_440 = arith.constant 1 : i32
    scf.for %scan3A_454 = %scan3A_437 to %scan3A_439 step %scan3A_440  : i32 {
      %mul3A_455 = arith.constant 16 : i32
      %mul3A_456 = arith.muli %scan3A_454, %mul3A_455 : i32
      %get3A_457 = arith.index_cast %mul3A_456 : i32 to index
      %get3A_458 = tpu.vector_load %arg9[%get3A_457] {strides = array<i32>} : memref<512xf32, #tpu.memory_space<vmem>>, vector<16xf32>,
      %add3A_459 = arith.constant 6656 : i32
      %add3A_460 = arith.addi %add3A_459, %mul3A_456 : i32
      %get3A_461 = arith.index_cast %add3A_460 : i32 to index
      %get3A_462 = tpu.vector_load %arg7[%get3A_461] {strides = array<i32>} : memref<13312xf32, #tpu.memory_space<vmem>>, vector<16xf32>,
      %add3A_463 = arith.addf %get3A_458, %get3A_462 : vector<16xf32>
      %add3A_464 = arith.constant 7168 : i32
      %add3A_465 = arith.addi %add3A_464, %mul3A_456 : i32
      %get3A_466 = arith.index_cast %add3A_465 : i32 to index
      %get3A_467 = tpu.vector_load %arg7[%get3A_466] {strides = array<i32>} : memref<13312xf32, #tpu.memory_space<vmem>>, vector<16xf32>,
      %add3A_468 = arith.addf %add3A_463, %get3A_467 : vector<16xf32>
      %add3A_469 = arith.constant 7680 : i32
      %add3A_470 = arith.addi %add3A_469, %mul3A_456 : i32
      %get3A_471 = arith.index_cast %add3A_470 : i32 to index
      %get3A_472 = tpu.vector_load %arg7[%get3A_471] {strides = array<i32>} : memref<13312xf32, #tpu.memory_space<vmem>>, vector<16xf32>,
      %add3A_473 = arith.addf %add3A_468, %get3A_472 : vector<16xf32>
      %add3A_474 = arith.constant 8192 : i32
      %add3A_475 = arith.addi %add3A_474, %mul3A_456 : i32
      %get3A_476 = arith.index_cast %add3A_475 : i32 to index
      %get3A_477 = tpu.vector_load %arg7[%get3A_476] {strides = array<i32>} : memref<13312xf32, #tpu.memory_space<vmem>>, vector<16xf32>,
      %add3A_478 = arith.addf %add3A_473, %get3A_477 : vector<16xf32>
      %add3A_479 = arith.constant 8704 : i32
      %add3A_480 = arith.addi %add3A_479, %mul3A_456 : i32
      %get3A_481 = arith.index_cast %add3A_480 : i32 to index
      %get3A_482 = tpu.vector_load %arg7[%get3A_481] {strides = array<i32>} : memref<13312xf32, #tpu.memory_space<vmem>>, vector<16xf32>,
      %add3A_483 = arith.addf %add3A_478, %get3A_482 : vector<16xf32>
      %add3A_484 = arith.constant 9216 : i32
      %add3A_485 = arith.addi %add3A_484, %mul3A_456 : i32
      %get3A_486 = arith.index_cast %add3A_485 : i32 to index
      %get3A_487 = tpu.vector_load %arg7[%get3A_486] {strides = array<i32>} : memref<13312xf32, #tpu.memory_space<vmem>>, vector<16xf32>,
      %add3A_488 = arith.addf %add3A_483, %get3A_487 : vector<16xf32>
      %add3A_489 = arith.constant 9728 : i32
      %add3A_490 = arith.addi %add3A_489, %mul3A_456 : i32
      %get3A_491 = arith.index_cast %add3A_490 : i32 to index
      %get3A_492 = tpu.vector_load %arg7[%get3A_491] {strides = array<i32>} : memref<13312xf32, #tpu.memory_space<vmem>>, vector<16xf32>,
      %add3A_493 = arith.addf %add3A_488, %get3A_492 : vector<16xf32>
      %swap3A = arith.index_cast %mul3A_456 : i32 to index
      %swap3A_494 = tpu.vector_load %arg9[%swap3A] {strides = array<i32>} : memref<512xf32, #tpu.memory_space<vmem>>, vector<16xf32>,
      tpu.vector_store %arg9[%swap3A], %add3A_493 {strides = array<i32>} : memref<512xf32, #tpu.memory_space<vmem>>, vector<16xf32>,
    }
    %scan3A_441 = arith.constant 32 : i32
    "tpu.trace_stop"() : () -> ()
    "tpu.trace_start"() <{level = 10 : i32, message = "gather4_wait"}> : () -> ()
    %dma_wait3A_442 = arith.constant 10240 : i32
    %dma_wait3A_443 = tpu.memref_slice %arg7[%dma_wait3A_442] : memref<13312xf32, #tpu.memory_space<vmem>> -> memref<3072xf32, #tpu.memory_space<vmem>>
    %dma_wait3A_444 = arith.constant 10240 : i32
    %dma_wait3A_445 = tpu.memref_slice %arg6[%dma_wait3A_444] : memref<13312xi32, #tpu.memory_space<vmem>> -> memref<3072xi32, #tpu.memory_space<vmem>>
    %dma_wait3A_446 = arith.constant 0 : i32
    %dma_wait3A_447 = tpu.memref_slice %arg10[%dma_wait3A_446] : memref<1040000xf32, #tpu.memory_space<vmem_shared>> -> memref<1040000xf32, #tpu.memory_space<vmem_shared>>
    tpu.wait_indirect_dma semaphore(%arg22 : memref<!tpu.dma_semaphore, #tpu.memory_space<semaphore_mem>>) src(%dma_wait3A_447 : memref<1040000xf32, #tpu.memory_space<vmem_shared>>) dst(%dma_wait3A_443 : memref<3072xf32, #tpu.memory_space<vmem>>)
    "tpu.trace_stop"() : () -> ()
    "tpu.trace_start"() <{level = 10 : i32, message = "reduce4"}> : () -> ()
    %scan3A_448 = arith.constant 0 : i32
    %scan3A_449 = arith.constant 0 : i32
    %scan3A_450 = arith.constant 32 : i32
    %scan3A_451 = arith.addi %scan3A_449, %scan3A_450 : i32
    %scan3A_452 = arith.constant 1 : i32
    scf.for %scan3A_454 = %scan3A_449 to %scan3A_451 step %scan3A_452  : i32 {
      %mul3A_455 = arith.constant 16 : i32
      %mul3A_456 = arith.muli %scan3A_454, %mul3A_455 : i32
      %get3A_457 = arith.index_cast %mul3A_456 : i32 to index
      %get3A_458 = tpu.vector_load %arg9[%get3A_457] {strides = array<i32>} : memref<512xf32, #tpu.memory_space<vmem>>, vector<16xf32>,
      %add3A_459 = arith.constant 10240 : i32
      %add3A_460 = arith.addi %add3A_459, %mul3A_456 : i32
      %get3A_461 = arith.index_cast %add3A_460 : i32 to index
      %get3A_462 = tpu.vector_load %arg7[%get3A_461] {strides = array<i32>} : memref<13312xf32, #tpu.memory_space<vmem>>, vector<16xf32>,
      %add3A_463 = arith.addf %get3A_458, %get3A_462 : vector<16xf32>
      %add3A_464 = arith.constant 10752 : i32
      %add3A_465 = arith.addi %add3A_464, %mul3A_456 : i32
      %get3A_466 = arith.index_cast %add3A_465 : i32 to index
      %get3A_467 = tpu.vector_load %arg7[%get3A_466] {strides = array<i32>} : memref<13312xf32, #tpu.memory_space<vmem>>, vector<16xf32>,
      %add3A_468 = arith.addf %add3A_463, %get3A_467 : vector<16xf32>
      %add3A_469 = arith.constant 11264 : i32
      %add3A_470 = arith.addi %add3A_469, %mul3A_456 : i32
      %get3A_471 = arith.index_cast %add3A_470 : i32 to index
      %get3A_472 = tpu.vector_load %arg7[%get3A_471] {strides = array<i32>} : memref<13312xf32, #tpu.memory_space<vmem>>, vector<16xf32>,
      %add3A_473 = arith.addf %add3A_468, %get3A_472 : vector<16xf32>
      %add3A_474 = arith.constant 11776 : i32
      %add3A_475 = arith.addi %add3A_474, %mul3A_456 : i32
      %get3A_476 = arith.index_cast %add3A_475 : i32 to index
      %get3A_477 = tpu.vector_load %arg7[%get3A_476] {strides = array<i32>} : memref<13312xf32, #tpu.memory_space<vmem>>, vector<16xf32>,
      %add3A_478 = arith.addf %add3A_473, %get3A_477 : vector<16xf32>
      %add3A_479 = arith.constant 12288 : i32
      %add3A_480 = arith.addi %add3A_479, %mul3A_456 : i32
      %get3A_481 = arith.index_cast %add3A_480 : i32 to index
      %get3A_482 = tpu.vector_load %arg7[%get3A_481] {strides = array<i32>} : memref<13312xf32, #tpu.memory_space<vmem>>, vector<16xf32>,
      %add3A_483 = arith.addf %add3A_478, %get3A_482 : vector<16xf32>
      %add3A_484 = arith.constant 12800 : i32
      %add3A_485 = arith.addi %add3A_484, %mul3A_456 : i32
      %get3A_486 = arith.index_cast %add3A_485 : i32 to index
      %get3A_487 = tpu.vector_load %arg7[%get3A_486] {strides = array<i32>} : memref<13312xf32, #tpu.memory_space<vmem>>, vector<16xf32>,
      %add3A_488 = arith.addf %add3A_483, %get3A_487 : vector<16xf32>
      %swap3A = arith.index_cast %mul3A_456 : i32 to index
      %swap3A_489 = tpu.vector_load %arg9[%swap3A] {strides = array<i32>} : memref<512xf32, #tpu.memory_space<vmem>>, vector<16xf32>,
      tpu.vector_store %arg9[%swap3A], %add3A_488 {strides = array<i32>} : memref<512xf32, #tpu.memory_space<vmem>>, vector<16xf32>,
    }
    %scan3A_453 = arith.constant 32 : i32
    "tpu.trace_stop"() : () -> ()
    "tpu.region"() ({
      %run_scoped3A = tpu.sem_alloc : memref<!tpu.dma_semaphore, #tpu.memory_space<semaphore_mem>>
      %dma_start3A_454 = tpu.memref_slice %arg5[%mul3A_2] : memref<16384xf32, #tpu.memory_space<hbm>> -> memref<512xf32, #tpu.memory_space<hbm>>
      %dma_start3A_455 = tpu.memref_slice %arg5[%mul3A_2] : memref<16384xf32, #tpu.memory_space<hbm>> -> memref<512xf32, #tpu.memory_space<hbm>>
      tpu.enqueue_dma source(%arg9 : memref<512xf32, #tpu.memory_space<vmem>>) target(%dma_start3A_455 : memref<512xf32, #tpu.memory_space<hbm>>) target_semaphore(%run_scoped3A : memref<!tpu.dma_semaphore, #tpu.memory_space<semaphore_mem>>)
      %dma_wait3A_456 = tpu.memref_slice %arg5[%mul3A_2] : memref<16384xf32, #tpu.memory_space<hbm>> -> memref<512xf32, #tpu.memory_space<hbm>>
      %dma_wait3A_457 = tpu.memref_slice %arg5[%mul3A_2] : memref<16384xf32, #tpu.memory_space<hbm>> -> memref<512xf32, #tpu.memory_space<hbm>>
      tpu.wait_dma2 semaphore(%run_scoped3A : memref<!tpu.dma_semaphore, #tpu.memory_space<semaphore_mem>>) src(%arg9 : memref<512xf32, #tpu.memory_space<vmem>>) dst(%dma_wait3A_457 : memref<512xf32, #tpu.memory_space<hbm>>)
      tpu.yield
    }) : () -> ()
    return
  }
}

</mosaic_0001>

<sc_bundles>
// kernel: _features_linear.3.cloned.1.call-start
scs
__scs_entry_jumppad:
0x0: {  	(pc) =	sbr.rel $0x88, $3  }
0x1: {  	(tag) =	ssettag $0x0;
	lr =	simm.s32 $0x1  }
0x2: {  	[smem:$0x3F9E] =	sst lr;
	_ =	strace $0xD0000000  }
0x3: {  	_ = 	snop  }
0x4: {  	_ = 	snop  }
0x5: {  	_ = 	snop  }
0x6: {  	_ = 	snop  }
0x7: {  	_ = 	snop  }
__scs_overlays_trampoline_lowered:
0x8: {  	[smem:$0x3FAD] =	sst s0  }
0x9: {  	[smem:$0x3FAE] =	sst s1  }
0xa: {  	[smem:$0x3FAF] =	sst s2  }
0xb: {  	[smem:$0x3FB0] =	sst s3  }
0xc: {  	[smem:$0x3FB1] =	sst s4  }
0xd: {  	[smem:$0x3FB2] =	sst s5  }
0xe: {  	[smem:$0x3FB3] =	sst s6  }
0xf: {  	[smem:$0x3FB4] =	sst s7  }
0x10: {  	[smem:$0x3FB5] =	sst s8  }
0x11: {  	[smem:$0x3FB6] =	sst s9;
	s0 =	simm.s32 @!p0 $0x0  }
0x12: {  	s1 =	sld [smem:$0x3F9C];
	s0 =	simm.s32 @p0 $0x1  }
0x13: {  	[smem:$0x3FB7] =	sst s0;
	s0 =	simm.s32 @!p1 $0x0  }
0x14: {  	s2 =	sld [smem:$0x3F9B];
	s0 =	simm.s32 @p1 $0x1  }
0x15: {  	[smem:$0x3FB8] =	sst s0;
	s0 =	simm.s32 @!p2 $0x0  }
0x16: {  	s3 =	sld [smem:$0x3FDB];
	s0 =	simm.s32 @p2 $0x1  }
0x17: {  	s4 =	simm.s32 $0x1BF5;
	[smem:$0x3FBA] =	sst s0  }
0x18: {  	s0 =	sld [smem:$0x3F9D];
	_ =	swait.ge [sflag:s4], $0x0  }
0x19: {  	s7 =	sld [smem:$0x3F9E]  }
0x1a: {  	s8 =	sadd.s32 $0xFFFFE003, lr  }
0x1b: {  	s9 =	sadd.s32 $0xFFFFFEF7, lr;
	s5 =	simm.s32 $0xFFFFFFFF;
	p2 =	slt.u32 s8, $0xFFFFF086  }
0x1c: {  	p1 =	slt.u32 s9, $0xF7A;
	s5 =	simm.s32 @!p2 $0x0  }
0x1d: {  	s5 =	simm.s32 @p1 $0x1;
	p0 =	seq.s32 s7, s2  }
0x1e: {  	s7 =	smul.u32 @!p0 $0xF7A, s2;
	p2 =	seq.s32 @!p0 s5, $0x0  }
0x1f: {  	s9 =	smul.u32 $0xF7A, s1;
	s8 =	simm.s32 @!p0 $0x1BF5;
	p2 =	por !p2, p0  }
0x20: {  	[sflag:s8] =	ssyncset.s32 @!p0 $0xFFFFF086;
	s6 =	sadd.s32 @!p0 s3, s7;
	s7 =	simm.s32 @!p0 $0x108  }
0x21: {  	s3 =	sadd.s32 s3, s9;
	s6 =	sadd.s32 @!p0 $0x88, s6;
	s7 =	simm.s32 @p2 $0x1082  }
0x22: {  	[simem:s7], [sflag:s8] =	dma.local @!p0 [hbm:s6], $0xF7A  }
0x23: {  	s9 =	sor.u32 $0xD0000000, s2;
	s6 =	simm.s32 $0x108;
	_ =	swait.ge @!p0 [sflag:s8], $0x0  }
0x24: {  	s3 =	sadd.s32 $0x88, s3;
	s6 =	simm.s32 @!p1 $0x1082;
	[sflag:s4] =	ssyncset.s32 $0xFFFFF086  }
0x25: {  	[simem:s6], [sflag:s4] =	dma.local [hbm:s3], $0xF7A  }
0x26: {  	[smem:$0x3F9E] =	sst s1;
	(tag) =	ssettag s2;
	_ =	strace s9  }
0x27: {  	s1 =	sld [smem:$0x3FAE]  }
0x28: {  	s2 =	sld [smem:$0x3FAF]  }
0x29: {  	s4 =	sld [smem:$0x3FB1]  }
0x2a: {  	p0 =	seq.s32 s5, $0x0;
	s5 =	sld [smem:$0x3FB2]  }
0x2b: {  	s6 =	sld [smem:$0x3FB3]  }
0x2c: {  	s7 =	sld [smem:$0x3FB4]  }
0x2d: {  	s3 =	simm.s32 $0x108;
	s8 =	sld [smem:$0x3FB5]  }
0x2e: {  	s3 =	simm.s32 @!p0 $0x1082;
	s9 =	sld [smem:$0x3FB6]  }
0x2f: {  	lr =	sadd.s32 s0, s3;
	s0 =	sld [smem:$0x3FAD]  }
0x30: {  	s3 =	sld [smem:$0x3FB0]  }
0x31: {  	[smem:$0x3FB9] =	sst s10  }
0x32: {  	s10 =	sld [smem:$0x3FB7];
	_ =	sdelay $0x3  }
0x33: {  	p0 =	seq.s32 s10, $0x1;
	s10 =	sld [smem:$0x3FB9];
	_ =	sdelay $0x3  }
0x34: {  	[smem:$0x3FB9] =	sst s10  }
0x35: {  	s10 =	sld [smem:$0x3FB8];
	_ =	sdelay $0x3  }
0x36: {  	p1 =	seq.s32 s10, $0x1;
	s10 =	sld [smem:$0x3FB9];
	_ =	sdelay $0x3  }
0x37: {  	[smem:$0x3FB9] =	sst s10  }
0x38: {  	s10 =	sld [smem:$0x3FBA]  }
0x39: {  	_ = 	snop;
	(pc) =	sbr.ind lr, $3  }
0x3a: {  	_ = 	snop  }
0x3b: {  	_ = 	snop  }
0x3c: {  	p2 =	seq.s32 s10, $0x1;
	s10 =	sld [smem:$0x3FB9]  }
0x3d: {  	_ =	shalt  }
0x3e: {  	_ =	shalt  }
0x3f: {  	_ =	shalt  }
0x40: {  	_ =	shalt  }
0x41: {  	_ =	shalt  }
0x42: {  	_ =	shalt  }
0x43: {  	_ =	shalt  }
0x44: {  	_ =	shalt  }
0x45: {  	_ =	shalt  }
0x46: {  	_ =	shalt  }
0x47: {  	_ =	shalt  }
0x48: {  	_ =	shalt  }
0x49: {  	_ =	shalt  }
0x4a: {  	_ =	shalt  }
0x4b: {  	_ =	shalt  }
0x4c: {  	_ =	shalt  }
0x4d: {  	_ =	shalt  }
0x4e: {  	_ =	shalt  }
0x4f: {  	_ =	shalt  }
0x50: {  	_ =	shalt  }
0x51: {  	_ =	shalt  }
0x52: {  	_ =	shalt  }
0x53: {  	_ =	shalt  }
0x54: {  	_ =	shalt  }
0x55: {  	_ =	shalt  }
0x56: {  	_ =	shalt  }
0x57: {  	_ =	shalt  }
0x58: {  	_ =	shalt  }
0x59: {  	_ =	shalt  }
0x5a: {  	_ =	shalt  }
0x5b: {  	_ =	shalt  }
0x5c: {  	_ =	shalt  }
0x5d: {  	_ =	shalt  }
0x5e: {  	_ =	shalt  }
0x5f: {  	_ =	shalt  }
0x60: {  	_ =	shalt  }
0x61: {  	_ =	shalt  }
0x62: {  	_ =	shalt  }
0x63: {  	_ =	shalt  }
0x64: {  	_ =	shalt  }
0x65: {  	_ =	shalt  }
0x66: {  	_ =	shalt  }
0x67: {  	_ =	shalt  }
0x68: {  	_ =	shalt  }
0x69: {  	_ =	shalt  }
0x6a: {  	_ =	shalt  }
0x6b: {  	_ =	shalt  }
0x6c: {  	_ =	shalt  }
0x6d: {  	_ =	shalt  }
0x6e: {  	_ =	shalt  }
0x6f: {  	_ =	shalt  }
0x70: {  	_ =	shalt  }
0x71: {  	_ =	shalt  }
0x72: {  	_ =	shalt  }
0x73: {  	_ =	shalt  }
0x74: {  	_ =	shalt  }
0x75: {  	_ =	shalt  }
0x76: {  	_ =	shalt  }
0x77: {  	_ =	shalt  }
0x78: {  	_ =	shalt  }
0x79: {  	_ =	shalt  }
0x7a: {  	_ =	shalt  }
0x7b: {  	_ =	shalt  }
0x7c: {  	_ =	shalt  }
0x7d: {  	_ =	shalt  }
0x7e: {  	_ =	shalt  }
0x7f: {  	_ =	shalt  }
0x80: {  	_ =	shalt  }
0x81: {  	_ =	shalt  }
0x82: {  	_ =	shalt  }
0x83: {  	_ =	shalt  }
0x84: {  	_ =	shalt  }
0x85: {  	_ =	shalt  }
0x86: {  	_ =	shalt  }
0x87: {  	_ =	shalt  }
.Lfunc_end0:
.L_simem_size_0:
called_computation_lowered:
.L_overlay_start_0:
0x88: {  	s2 =	sld [smem:$0x3FD9]  }
0x89: {  	s3 =	sld [smem:$0x3FFE];
	_ =	sdelay $0x1  }
0x8a: {  	s1 =	srdreg.scid  }
0x8b: {  	s0 =	sand.u32 $0x1, s1  }
0x8c: {  	s18 =	sshll.u32 s0, $0xA;
	s2 =	sadd.s32 s3, s2  }
0x8d: {  	s2 =	sadd.s32 s2, s18  }
0x8e: {  	[smem:$0x3FC5] =	sst s2  }
0x8f: {  	_ = 	snop  }
0x90: {  	s2 =	sld [smem:$0x3FC9]  }
0x91: {  	s19 =	sld [smem:$0x3FC8]  }
0x92: {  	s4 =	sld [smem:$0x3FC7]  }
0x93: {  	s5 =	sld [smem:$0x3FD0];
	(tm) =	ssettm $0x1  }
0x94: {  	s6 =	sld [smem:$0x3FFB];
	_ =	sdelay $0x3  }
0x95: {  	_ =	strace s6  }
0x96: {  	s6 =	sld [smem:$0x3FFC];
	_ =	sdelay $0x3  }
0x97: {  	_ =	strace s6  }
0x98: {  	s6 =	sld [smem:$0x3FFD];
	_ =	sdelay $0x3  }
0x99: {  	_ =	strace s6  }
0x9a: {  	_ =	strace $0x8FFFFFFF  }
0x9b: {  	s20 =	sld [smem:$0x3FDB];
	_ =	sdelay $0x1  }
0x9c: {  	s7 =	simm.s32 $_scs_section_size  }
0x9d: {  	s8 =	simm.s32 $_size__tile_overlayer_lowered;
	s9 =	simm.s32 $_tile_overlayer_lowered  }
0x9e: {  	s23 =	simm.s32 $0x1BFF;
	s22 =	sshll.u32 s9, $0x1;
	s6 =	sadd.s32 s7, s20  }
0x9f: {  	s10 =	simm.s32 $0x0;
	s21 =	sshll.u32 s8, $0x1;
	s8 =	sadd.s32 s22, s6  }
0xa0: {  	[timem:s10], [sflag:s23] =	dma.local [hbm:s8], s21  }
0xa1: {  	_ =	swait.ge [sflag:s23], s21  }
0xa2: {  	s7 =	ssub.s32 $0x0, s21;
	[sflag:s23] =	ssyncset.done $0x0  }
0xa3: {  	[sflag:s23] =	ssyncadd.s32 s7;
	_ =	sdelay $0x1  }
0xa4: {  	s24 =	simm.s32 $0x1B8B  }
0xa5: {  	_ =	swait.ge [sflag:s24], $0x1  }
0xa6: {  	[sflag:s24] =	ssyncset.done $0x0  }
0xa7: {  	s25 =	simm.s32 $0x1B8E;
	[sflag:s24] =	ssyncadd.s32 $0xFFFFFFFF  }
0xa8: {  	s26 =	simm.s32 $execute0_lowered;
	[smem:$0x3FD2] =	sst s25  }
0xa9: {  	s7 =	sshll.u32 s26, $0x1;
	_ =	strace $0x80000046;
	[dreg:$0x1] =	wrdreg $0xFFFFFFFF  }
0xaa: {  	s28 =	simm.s32 $_size_execute0_lowered;
	s6 =	sadd.s32 s6, s7;
	[dreg:$0x0] =	wrdreg $0x0  }
0xab: {  	s7 =	sshll.u32 s28, $0x1;
	[dreg:$0x2] =	wrdreg s6  }
0xac: {  	[dreg:$0x3] =	wrdreg s7  }
0xad: {  	[dreg:$0x4] =	wrdreg $0xC0  }
0xae: {  	_ =	task [dreg:s10], $0x5FFFF  }
0xaf: {  	[dreg:$0x1] =	wrdreg $0xFFFFFFFF  }
0xb0: {  	[dreg:$0x0] =	wrdreg $0x60  }
0xb1: {  	[dreg:$0x2] =	wrdreg s2  }
0xb2: {  	[dreg:$0x3] =	wrdreg s19  }
0xb3: {  	[dreg:$0x4] =	wrdreg s4  }
0xb4: {  	[dreg:$0x5] =	wrdreg s5  }
0xb5: {  	[dreg:$0x6] =	wrdreg $0x6A800  }
0xb6: {  	[dreg:$0x7] =	wrdreg $0x9  }
0xb7: {  	_ =	task.clear_ibuf [dreg:s10], $0x8FFFF;
	_ =	strace $0x90000046  }
0xb8: {  	s29 =	simm.s32 $0x9;
	_ =	strace $0x8000005D  }
0xb9: {  	_ =	swait.ge [sflag:s29], $0x1  }
0xba: {  	[sflag:s29] =	ssyncadd.s32 $0xFFFFFFFF  }
0xbb: {  	_ =	strace $0x9000005D  }
0xbc: {  	_ =	sfence  }
0xbd: {  	s30 =	sld [smem:$0x0];
	_ =	sdelay $0x2  }
0xbe: {  	s31 =	sshll.u32 s1, $0xD;
	s1 =	sshrl.u32 s1, $0x2  }
0xbf: {  	s3 =	sand.u32 $0x4000, s31;
	s1 =	sadd.s32 s1, s30  }
0xc0: {  	s0 =	sor.u32 s3, s0;
	s1 =	sshll.u32 s1, $0x11  }
0xc1: {  	s0 =	sor.u32 s1, s0  }
0xc2: {  	s0 =	sadd.s32 $0x8F2B, s0  }
0xc3: {  	[sflag:s0] =	ssyncadd.remote.s32 $0x1  }
0xc4: {  	_ =	sfence.sel $0xFFFF  }
0xc5: {  	[dreg:$0x0] =	wrdreg $0xFFFFFFFF;
	(pc) =	sbr.abs _section_cstart, $3  }
0xc6: {  	[dreg:$0x1] =	wrdreg $0xFFFFFFFF  }
0xc7: {  	_ =	task.clear_ibuf [dreg:s10], $0x2FFFF;
	_ =	strace $0x9FFFFFFF  }
0xc8: {  	(tm) =	ssettm $0x7FFFFFFF  }
0xc9: {  	_ =	shalt  }
tec
execute0_lowered:
.L_overlay_start_1:
0x0: {  	(tag) =	ssettag $0x1  }
0x1: {  	s0 =	rddreg [dreg:$0x0]  }
0x2: {  	s1 =	rddreg [dreg:$0x1]  }
0x3: {  	s2 =	rddreg [dreg:$0x3]  }
0x4: {  	s3 =	rddreg [dreg:$0x4]  }
0x5: {  	s4 =	srdreg.scid;
	s13 =	stileid.u32  }
0x6: {  	s28 =	simm.s32 $0x2;
	s29 =	simm.s32 $0x3;
	s30 =	simm.s32 $0x4  }
0x7: {  	s31 =	simm.s32 $0x8;
	s5 =	sand.u32 $0x1, s4;
	s18 =	smul.u32 $0x1400, s13  }
0x8: {  	s4 =	simm.s32 $0x0;
	s6 =	sshll.u32 s13, $0xA;
	s7 =	sshll.u32 s5, $0x9  }
0x9: {  	[smem:$0x7FF] =	sst s4;
	s6 =	sor.u32 s7, s6;
	s7 =	sshrl.u32 s18, $0x3  }
0xa: {  	s8 =	ssub.s32 $0x2, s5;
	s5 =	sadd.s32 s0, s6;
	s7 =	sadd.s32 s1, s7  }
0xb: {  	_ =	strace $0x80000047;
	s14 =	sadd.s32 $0x10, s5;
	[dreg:$0xc] =	wrdreg s7  }
0xc: {  	s21 =	smul.u32 $0x3080, s13;
	s15 =	sadd.s32 $0x20, s5;
	[dreg:$0x6] =	wrdreg s14  }
0xd: {  	s10 =	smul.u32 $0x3A80, s13;
	s16 =	sadd.s32 $0x30, s5;
	[dreg:$0x7] =	wrdreg s15  }
0xe: {  	s12 =	sshrl.u32 s8, $0x1;
	s17 =	sadd.s32 $0x40, s5;
	[dreg:$0x8] =	wrdreg s16  }
0xf: {  	s22 =	sadd.s32 $0x14000, s21;
	s19 =	sadd.s32 $0x50, s5;
	[dreg:$0x9] =	wrdreg s17  }
0x10: {  	s6 =	sshrl.u32 s6, $0x3;
	s20 =	sadd.s32 $0x60, s5;
	[dreg:$0xa] =	wrdreg s19  }
0x11: {  	s0 =	ssub.s32 s8, s12;
	s2 =	sadd.s32 s2, s6;
	[dreg:$0xb] =	wrdreg s20  }
0x12: {  	s11 =	sadd.s32 s22, s3;
	s0 =	smax.u32 s0, $0x1;
	[dreg:$0x11] =	wrdreg s2  }
0x13: {  	s23 =	smul.u32 $0x4480, s13;
	s6 =	sshrl.u32 s11, $0x3;
	[dreg:$0x13] =	wrdreg s0  }
0x14: {  	p0 =	seq.s32 s13, $0xF;
	s11 =	sadd.s32 $0x4010, s5;
	[dreg:$0x15] =	wrdreg s6  }
0x15: {  	s9 =	sadd.s32 s18, s3;
	s18 =	sadd.s32 $0x4070, s5;
	[dreg:$0x1c] =	wrdreg s11  }
0x16: {  	s8 =	sadd.s32 $0x7F000, s23;
	s21 =	sadd.s32 $0x8020, s5;
	[smem:$0x7F5] =	sst s18  }
0x17: {  	s7 =	sshrl.u32 s22, $0x3;
	s22 =	sadd.s32 $0x8030, s5;
	[smem:$0x7F8] =	sst s21  }
0x18: {  	s25 =	sshrl.u32 s8, $0x3;
	s23 =	sadd.s32 $0x8040, s5;
	[smem:$0x7F9] =	sst s22  }
0x19: {  	s8 =	sadd.s32 s8, s3;
	s7 =	sadd.s32 s1, s7;
	[smem:$0x7FA] =	sst s23  }
0x1a: {  	s26 =	sadd.s32 $0xC3800, s10;
	s8 =	sshrl.u32 s8, $0x3;
	[dreg:$0xd] =	wrdreg s7  }
0x1b: {  	s12 =	sadd.s32 $0x44800, s10;
	s14 =	sadd.s32 $0x4030, s5;
	[dreg:$0x17] =	wrdreg s8  }
0x1c: {  	s10 =	sadd.s32 s26, s3;
	s15 =	sadd.s32 $0x4040, s5;
	[dreg:$0x1e] =	wrdreg s14  }
0x1d: {  	s24 =	sshrl.u32 s12, $0x3;
	s16 =	sadd.s32 $0x4050, s5;
	[dreg:$0x1f] =	wrdreg s15  }
0x1e: {  	s12 =	sadd.s32 s12, s3;
	s17 =	sadd.s32 $0x4060, s5;
	[smem:$0x7F3] =	sst s16  }
0x1f: {  	s2 =	sadd.s32 $0xFA580, s3;
	s19 =	sadd.s32 $0x8000, s5;
	[smem:$0x7F4] =	sst s17  }
0x20: {  	s20 =	sadd.s32 $0x8010, s5;
	s22 =	simm.s32 $0xC00;
	[smem:$0x7F6] =	sst s19  }
0x21: {  	s23 =	simm.s32 $0xE00;
	s7 =	sadd.s32 s1, s24;
	[smem:$0x7F7] =	sst s20  }
0x22: {  	s6 =	simm.s32 $0xA;
	s0 =	sshrl.u32 @p0 s2, $0x3;
	[dreg:$0xe] =	wrdreg s7  }
0x23: {  	s24 =	sadd.s32 $0x8050, s5;
	s15 =	sshll.u32 s13, $0x6;
	[dreg:$0x18] =	wrdreg s0  }
0x24: {  	s16 =	sadd.s32 $0xC000, s5;
	s7 =	sadd.s32 s1, s25;
	[smem:$0x7FB] =	sst s24  }
0x25: {  	s17 =	sadd.s32 $0xC010, s5;
	s0 =	sshrl.u32 @!p0 s10, $0x3;
	[dreg:$0xf] =	wrdreg s7  }
0x26: {  	s19 =	simm.s32 $0x80;
	s10 =	sadd.s32 $0x4000, s5;
	[dreg:$0x19] =	wrdreg s0  }
0x27: {  	s20 =	simm.s32 $0x400;
	s25 =	sadd.s32 $0x8060, s5;
	[dreg:$0x1b] =	wrdreg s10  }
0x28: {  	s7 =	sshrl.u32 s26, $0x3;
	[smem:$0x7FC] =	sst s25;
	s26 =	sadd.s32 $0x8070, s5  }
0x29: {  	s2 =	simm.s32 $0x6;
	s7 =	sadd.s32 s1, s7;
	[smem:$0x7FD] =	sst s26  }
0x2a: {  	s8 =	simm.s32 $0xC;
	s1 =	sadd.s32 $0x1F4B0, s1;
	[dreg:$0x10] =	wrdreg s7  }
0x2b: {  	s18 =	sor.u32 $0x1C03, s15;
	[dreg:$0x12] =	wrdreg s1;
	s1 =	sshrl.u32 s9, $0x3  }
0x2c: {  	s24 =	simm.s32 $0x1A00;
	s7 =	sshrl.u32 s12, $0x3;
	[dreg:$0x14] =	wrdreg s1  }
0x2d: {  	s25 =	simm.s32 $0x2800;
	s9 =	sadd.s32 $0x70, s5;
	[dreg:$0x16] =	wrdreg s7  }
0x2e: {  	s0 =	simm.s32 $0x5;
	s12 =	sadd.s32 $0x4020, s5;
	[dreg:$0x1a] =	wrdreg s9  }
0x2f: {  	s10 =	simm.s32 $0x0;
	s26 =	simm.s32 $0x1;
	[dreg:$0x1d] =	wrdreg s12  }
0x30: {  	s1 =	simm.s32 $0x9;
	s7 =	simm.s32 $0xB;
	s9 =	simm.s32 $0xD  }
.LBB2_1:
0x31: {  	[tilespmem:s4], [sflag:$0x1] =	stream.strided.gather [hbm4b:s5+s19], $0x200, s20, s19, $0x38;
	[tilespmem:$0x16868] =	vst v63  }
0x32: {  	s11 =	rddreg [dreg:$0x6]  }
0x33: {  	s12 =	simm.s32 $0x200;
	s21 =	rddreg [dreg:$0x7]  }
0x34: {  	[tilespmem:s12], [sflag:$0x1] =	stream.strided.gather [hbm4b:s11+s19], $0x200, s20, s19, $0x38;
	[tilespmem:$0x16868] =	vst v63  }
0x35: {  	s14 =	rddreg [dreg:$0x9]  }
0x36: {  	[tilespmem:s20], [sflag:$0x1] =	stream.strided.gather [hbm4b:s21+s19], $0x200, s20, s19, $0x38;
	[tilespmem:$0x16868] =	vst v63  }
0x37: {  	s13 =	simm.s32 $0x600;
	s12 =	rddreg [dreg:$0x8]  }
0x38: {  	[tilespmem:s13], [sflag:$0x1] =	stream.strided.gather [hbm4b:s12+s19], $0x200, s20, s19, $0x38;
	[tilespmem:$0x16868] =	vst v63  }
0x39: {  	s21 =	simm.s32 $0x800;
	s12 =	rddreg [dreg:$0xa]  }
0x3a: {  	[tilespmem:s21], [sflag:$0x1] =	stream.strided.gather [hbm4b:s14+s19], $0x200, s20, s19, $0x38;
	[tilespmem:$0x16868] =	vst v63  }
0x3b: {  	s13 =	simm.s32 $0xA00;
	s14 =	rddreg [dreg:$0xb]  }
0x3c: {  	[tilespmem:s13], [sflag:$0x1] =	stream.strided.gather [hbm4b:s12+s19], $0x200, s20, s19, $0x38;
	[tilespmem:$0x16868] =	vst v63  }
0x3d: {  	s21 =	rddreg [dreg:$0x1a]  }
0x3e: {  	[tilespmem:s22], [sflag:$0x1] =	stream.strided.gather [hbm4b:s14+s19], $0x200, s20, s19, $0x38;
	[tilespmem:$0x16868] =	vst v63  }
0x3f: {  	s12 =	rddreg [dreg:$0x1b]  }
0x40: {  	[tilespmem:s23], [sflag:$0x1] =	stream.strided.gather [hbm4b:s21+s19], $0x200, s20, s19, $0x38;
	[tilespmem:$0x16868] =	vst v63  }
0x41: {  	s13 =	simm.s32 $0x1000;
	s14 =	rddreg [dreg:$0x1c]  }
0x42: {  	[tilespmem:s13], [sflag:$0x1] =	stream.strided.gather [hbm4b:s12+s19], $0x200, s20, s19, $0x38;
	[tilespmem:$0x16868] =	vst v63  }
0x43: {  	s21 =	simm.s32 $0x1200;
	s12 =	rddreg [dreg:$0x1d]  }
0x44: {  	[tilespmem:s21], [sflag:$0x1] =	stream.strided.gather [hbm4b:s14+s19], $0x200, s20, s19, $0x38;
	[tilespmem:$0x16868] =	vst v63  }
0x45: {  	s13 =	simm.s32 $0x1400;
	s14 =	rddreg [dreg:$0x1e]  }
0x46: {  	[tilespmem:s13], [sflag:$0x1] =	stream.strided.gather [hbm4b:s12+s19], $0x200, s20, s19, $0x38;
	[tilespmem:$0x16868] =	vst v63  }
0x47: {  	s21 =	simm.s32 $0x1600;
	s13 =	rddreg [dreg:$0x1f]  }
0x48: {  	[tilespmem:s21], [sflag:$0x1] =	stream.strided.gather [hbm4b:s14+s19], $0x200, s20, s19, $0x38;
	[tilespmem:$0x16868] =	vst v63  }
0x49: {  	s14 =	simm.s32 $0x1800;
	s21 =	sld [smem:$0x7F3]  }
0x4a: {  	[tilespmem:s14], [sflag:$0x1] =	stream.strided.gather [hbm4b:s13+s19], $0x200, s20, s19, $0x38;
	[tilespmem:$0x16868] =	vst v63  }
0x4b: {  	s12 =	sld [smem:$0x7F4]  }
0x4c: {  	[tilespmem:s24], [sflag:$0x1] =	stream.strided.gather [hbm4b:s21+s19], $0x200, s20, s19, $0x38;
	[tilespmem:$0x16868] =	vst v63  }
0x4d: {  	s13 =	simm.s32 $0x1C00;
	s14 =	sld [smem:$0x7F5]  }
0x4e: {  	[tilespmem:s13], [sflag:$0x1] =	stream.strided.gather [hbm4b:s12+s19], $0x200, s20, s19, $0x38;
	[tilespmem:$0x16868] =	vst v63  }
0x4f: {  	s21 =	simm.s32 $0x1E00;
	s12 =	sld [smem:$0x7F6]  }
0x50: {  	[tilespmem:s21], [sflag:$0x1] =	stream.strided.gather [hbm4b:s14+s19], $0x200, s20, s19, $0x38;
	[tilespmem:$0x16868] =	vst v63  }
0x51: {  	s13 =	simm.s32 $0x2000;
	s14 =	sld [smem:$0x7F7]  }
0x52: {  	[tilespmem:s13], [sflag:$0x1] =	stream.strided.gather [hbm4b:s12+s19], $0x200, s20, s19, $0x38;
	[tilespmem:$0x16868] =	vst v63  }
0x53: {  	s21 =	simm.s32 $0x2200;
	s12 =	sld [smem:$0x7F8]  }
0x54: {  	[tilespmem:s21], [sflag:$0x1] =	stream.strided.gather [hbm4b:s14+s19], $0x200, s20, s19, $0x38;
	[tilespmem:$0x16868] =	vst v63  }
0x55: {  	s13 =	simm.s32 $0x2400;
	s14 =	sld [smem:$0x7F9]  }
0x56: {  	[tilespmem:s13], [sflag:$0x1] =	stream.strided.gather [hbm4b:s12+s19], $0x200, s20, s19, $0x38;
	[tilespmem:$0x16868] =	vst v63  }
0x57: {  	s21 =	simm.s32 $0x2600;
	s13 =	sld [smem:$0x7FA]  }
0x58: {  	[tilespmem:s21], [sflag:$0x1] =	stream.strided.gather [hbm4b:s14+s19], $0x200, s20, s19, $0x38;
	[tilespmem:$0x16868] =	vst v63  }
0x59: {  	s14 =	sld [smem:$0x7FB]  }
0x5a: {  	[tilespmem:s25], [sflag:$0x1] =	stream.strided.gather [hbm4b:s13+s19], $0x200, s20, s19, $0x38;
	[tilespmem:$0x16868] =	vst v63  }
0x5b: {  	s12 =	sld [smem:$0x7FC];
	s21 =	simm.s32 $0x2A00  }
0x5c: {  	[tilespmem:s21], [sflag:$0x1] =	stream.strided.gather [hbm4b:s14+s19], $0x200, s20, s19, $0x38;
	[tilespmem:$0x16868] =	vst v63  }
0x5d: {  	s13 =	simm.s32 $0x2C00;
	s14 =	sld [smem:$0x7FD]  }
0x5e: {  	[tilespmem:s13], [sflag:$0x1] =	stream.strided.gather [hbm4b:s12+s19], $0x200, s20, s19, $0x38;
	[tilespmem:$0x16868] =	vst v63  }
0x5f: {  	s21 =	simm.s32 $0x2E00  }
0x60: {  	[tilespmem:s21], [sflag:$0x1] =	stream.strided.gather [hbm4b:s14+s19], $0x200, s20, s19, $0x38;
	[tilespmem:$0x16868] =	vst v63  }
0x61: {  	s12 =	simm.s32 $0x3000;
	s14 =	rddreg [dreg:$0x2]  }
0x62: {  	[tilespmem:s12], [sflag:$0x1] =	stream.strided.gather [hbm4b:s16+s19], $0x200, s20, s19, $0x38;
	[tilespmem:$0x16868] =	vst v63  }
0x63: {  	s13 =	simm.s32 $0x3200;
	s12 =	rddreg [dreg:$0xc]  }
0x64: {  	[tilespmem:s13], [sflag:$0x1] =	stream.strided.gather [hbm4b:s17+s19], $0x200, s20, s19, $0x38;
	[tilespmem:$0x16868] =	vst v63  }
0x65: {  	s21 =	simm.s32 $0x6800;
	s13 =	rddreg [dreg:$0x14]  }
0x66: {  	[tilespmem:s21], [sflag:$0x2] =	stream.linear.gather [hbm4b:s14+s4], $0x80, $0x38;
	[tilespmem:$0x16868] =	vst v63  }
0x67: {  	[spmem:s13], [sflag:s18] =	dma.local [hbm:s12], $0x280  }
0x68: {  	s12 =	rddreg [dreg:$0xd]  }
0x69: {  	s14 =	sor.u32 $0x1C04, s15;
	s13 =	rddreg [dreg:$0x15]  }
0x6a: {  	[spmem:s13], [sflag:s14] =	dma.local [hbm:s12], $0x610  }
0x6b: {  	s12 =	rddreg [dreg:$0xe]  }
0x6c: {  	s21 =	sor.u32 $0x1C05, s15;
	s13 =	rddreg [dreg:$0x16]  }
0x6d: {  	[spmem:s13], [sflag:s21] =	dma.local [hbm:s12], $0x750  }
0x6e: {  	s12 =	rddreg [dreg:$0xf]  }
0x6f: {  	s14 =	sor.u32 $0x1C06, s15;
	s13 =	rddreg [dreg:$0x17]  }
0x70: {  	[spmem:s13], [sflag:s14] =	dma.local [hbm:s12], $0x890  }
0x71: {  	s12 =	rddreg [dreg:$0x12]  }
0x72: {  	s11 =	simm.s32 @p0 $0x1FC7;
	s13 =	rddreg [dreg:$0x18]  }
0x73: {  	[spmem:s13], [sflag:s11] =	dma.local @p0 [hbm:s12], $0x720  }
0x74: {  	s11 =	stileid.u32  }
0x75: {  	s11 =	sshll.u32 @!p0 s11, $0x6;
	s12 =	rddreg [dreg:$0x10]  }
0x76: {  	s13 =	rddreg [dreg:$0x19];
	s11 =	sor.u32 @!p0 $0x1C07, s11  }
0x77: {  	[spmem:s13], [sflag:s11] =	dma.local @!p0 [hbm:s12], $0x750  }
0x78: {  	_ =	swait.ge [sflag:s26], $0x3400  }
0x79: {  	[sflag:s26] =	ssyncset.done $0x0  }
0x7a: {  	[sflag:s26] =	ssyncadd.s32 $0xFFFFCC00  }
0x7b: {  	s11 =	simm.s32 $0x40;
	_ =	strace $0x80000048  }
0x7c: {  	v1 =	vld [tilespmem:s11+$0xFFFFFFC0]  }
0x7d: {  	v4 =	vld [tilespmem:s11+$0xFFFFFFD0]  }
0x7e: {  	s21 =	simm.s32 $0x0;
	v3 =	vld [tilespmem:s11+$0xFFFFFFE0]  }
0x7f: {  	s12 =	smul.u32 $0x9C40, s21;
	v2 =	vld [tilespmem:s11+$0x0]  }
0x80: {  	v0 =	vld [tilespmem:s11+$0x10]  }
0x81: {  	v5 =	vadd.s32 s12, v1;
	v1 =	vld [tilespmem:s11+$0x20]  }
0x82: {  	s14 =	simm.s32 $0x40;
	s13 =	simm.s32 $0x1;
	[tilespmem:s11+$0xFFFFFFC0] =	vst v5;
	v5 =	vadd.s32 s12, v4;
	v4 =	vld [tilespmem:s11+$0x30]  }
.LBB2_2:
0x83: {  	p1 =	sne.s32 s13, $0x67;
	[tilespmem:s11+$0xFFFFFFD0] =	vst v5;
	v3 =	vadd.s32 s12, v3;
	v5 =	vld [tilespmem:s11+$0xFFFFFFF0];
	s14 =	sadd.s32 $0x80, s14  }
0x84: {  	v6 =	vld [tilespmem:s14+$0xFFFFFFC0];
	[tilespmem:s11+$0xFFFFFFE0] =	vst v3;
	v2 =	vadd.s32 s12, v2  }
0x85: {  	v7 =	vld [tilespmem:s14+$0xFFFFFFD0];
	[tilespmem:s11+$0x0] =	vst v2;
	v0 =	vadd.s32 s12, v0  }
.Ltmp0:
0x86: {  	s21 =	sshrl.u32 s13, $0x2;
	v3 =	vld [tilespmem:s14+$0xFFFFFFE0];
	[tilespmem:s11+$0x10] =	vst v0;
	v0 =	vadd.s32 s12, v1;
	(pc) =	sbr.rel @p1 .LBB2_2-.Ltmp0, $4  }
0x87: {  	s21 =	smul.u32 $0x9C40, s21;
	v2 =	vld [tilespmem:s14+$0x0];
	[tilespmem:s11+$0x20] =	vst v0;
	v1 =	vadd.s32 s12, v4  }
0x88: {  	v0 =	vld [tilespmem:s14+$0x10];
	v4 =	vadd.s32 s12, v5;
	[tilespmem:s11+$0x30] =	vst v1  }
0x89: {  	s12 =	smov.u32 s21;
	v5 =	vadd.s32 s21, v6;
	v1 =	vld [tilespmem:s14+$0x20];
	[tilespmem:s11+$0xFFFFFFF0] =	vst v4;
	s11 =	smov.u32 s14  }
0x8a: {  	s13 =	sadd.s32 $0x1, s13;
	[tilespmem:s14+$0xFFFFFFC0] =	vst v5;
	v5 =	vadd.s32 s12, v7;
	v4 =	vld [tilespmem:s14+$0x30]  }
0x8b: {  	[tilespmem:s11+$0xFFFFFFD0] =	vst v5;
	v3 =	vadd.s32 s12, v3;
	v63 =	vld [tilespmem:s11+$0xFFFFFFF0]  }
0x8c: {  	[tilespmem:s11+$0xFFFFFFE0] =	vst v3;
	v2 =	vadd.s32 s12, v2  }
0x8d: {  	[tilespmem:s11+$0x0] =	vst v2;
	v0 =	vadd.s32 s12, v0  }
0x8e: {  	[tilespmem:s11+$0x10] =	vst v0;
	v0 =	vadd.s32 s12, v1  }
0x8f: {  	[tilespmem:s11+$0x20] =	vst v0;
	v0 =	vadd.s32 s12, v4  }
0x90: {  	v1 =	vadd.s32 s12, v63;
	[tilespmem:s11+$0x30] =	vst v0  }
0x91: {  	[tilespmem:s11+$0xFFFFFFF0] =	vst v1  }
0x92: {  	_ =	strace $0x90000048  }
0x93: {  	_ =	swait.ge [sflag:s28], $0x80  }
0x94: {  	[sflag:s28] =	ssyncset.done $0x0  }
0x95: {  	[sflag:s28] =	ssyncadd.s32 $0xFFFFFF80  }
0x96: {  	v0 =	vld [tilespmem:$0x6800];
	_ =	strace $0x80000049  }
0x97: {  	_ =	swait.ge [sflag:s29], $0x280  }
0x98: {  	[sflag:s29] =	ssyncset.done $0x0  }
0x99: {  	[sflag:s29] =	ssyncadd.s32 $0xFFFFFD80  }
0x9a: {  	[bflag:$0x0] =	sbarrier.arrive $0xFFFF  }
0x9b: {  	_ =	strace $0x90000049  }
0x9c: {  	s21 =	simm.s32 $0x3400;
	s11 =	simm.s32 $0x0;
	_ =	strace $0x8000004A  }
0x9d: {  	[tilespmem:s21], [sflag:$0x8] =	stream.indirect.gather [spmem:s3], $0x1, s11, s20, $0x2000b8;
	[tilespmem:$0x16868] =	vst v63  }
0x9e: {  	_ =	strace $0x9000004A  }
0x9f: {  	_ =	strace $0x8000004B  }
0xa0: {  	_ =	swait.ge [sflag:s30], $0x610  }
0xa1: {  	[sflag:s30] =	ssyncset.done $0x0  }
0xa2: {  	[sflag:s30] =	ssyncadd.s32 $0xFFFFF9F0  }
0xa3: {  	[bflag:$0x0] =	sbarrier.arrive $0xFFFF  }
0xa4: {  	_ =	strace $0x9000004B  }
0xa5: {  	s13 =	simm.s32 $0xA00;
	s14 =	simm.s32 $0x3800;
	_ =	strace $0x8000004C  }
0xa6: {  	[tilespmem:s14], [sflag:$0x9] =	stream.indirect.gather [spmem:s3], $0x1, s20, s13, $0x2000b8;
	[tilespmem:$0x16868] =	vst v63  }
0xa7: {  	_ =	strace $0x9000004C  }
0xa8: {  	_ =	strace $0x8000004D  }
0xa9: {  	_ =	swait.ge [sflag:s31], $0x400  }
0xaa: {  	[sflag:s31] =	ssyncset.done $0x0  }
0xab: {  	[sflag:s31] =	ssyncadd.s32 $0xFFFFFC00  }
0xac: {  	_ =	strace $0x9000004D  }
0xad: {  	_ =	strace $0x8000004E  }
0xae: {  	v1 =	vld [tilespmem:s21+$0x0]  }
0xaf: {  	s11 =	sand.u32 $0x1F0, s11  }
0xb0: {  	v2 =	vld [tilespmem:s11+$0x3600];
	_ =	sdelay $0x2  }
0xb1: {  	v1 =	vadd.f32 v1, v0;
	_ =	sdelay $0x1  }
0xb2: {  	v1 =	vadd.f32 v2, v1  }
0xb3: {  	s11 =	simm.s32 $0x6880  }
0xb4: {  	s12 =	simm.s32 $0x3410;
	[tilespmem:s11+$0x0] =	vst v1  }
0xb5: {  	s13 =	simm.s32 $0x10;
	s14 =	simm.s32 $0x20;
	v1 =	vld [tilespmem:s12+$0x0]  }
.LBB2_4:
0xb6: {  	p1 =	sne.s32 s14, $0x1F0;
	s21 =	sand.u32 $0x1F0, s13;
	s13 =	smov.u32 s14  }
0xb7: {  	v2 =	vld [tilespmem:s21+$0x3600];
	_ =	sdelay $0x2  }
0xb8: {  	v1 =	vadd.f32 v1, v0  }
.Ltmp1:
0xb9: {  	(pc) =	sbr.rel @p1 .LBB2_4-.Ltmp1, $4  }
0xba: {  	v1 =	vadd.f32 v2, v1  }
0xbb: {  	s11 =	sadd.s32 $0x10, s11  }
0xbc: {  	s12 =	sadd.s32 $0x10, s12;
	[tilespmem:s11+$0x0] =	vst v1  }
0xbd: {  	s14 =	sadd.s32 $0x10, s14;
	v1 =	vld [tilespmem:s12+$0x0]  }
0xbe: {  	s12 =	sand.u32 $0x1F0, s13  }
0xbf: {  	v2 =	vld [tilespmem:s12+$0x3600];
	_ =	sdelay $0x2  }
0xc0: {  	v0 =	vadd.f32 v1, v0;
	_ =	sdelay $0x1  }
0xc1: {  	v0 =	vadd.f32 v2, v0  }
0xc2: {  	s11 =	sadd.s32 $0x10, s11  }
0xc3: {  	[tilespmem:s11+$0x0] =	vst v0  }
0xc4: {  	_ =	strace $0x9000004E  }
0xc5: {  	_ =	strace $0x8000004F  }
0xc6: {  	_ =	swait.ge [sflag:s0], $0x750  }
0xc7: {  	[sflag:s0] =	ssyncset.done $0x0  }
0xc8: {  	[sflag:s0] =	ssyncadd.s32 $0xFFFFF8B0  }
0xc9: {  	[bflag:$0x0] =	sbarrier.arrive $0xFFFF  }
0xca: {  	_ =	strace $0x9000004F  }
0xcb: {  	s14 =	simm.s32 $0x4200;
	_ =	strace $0x80000050  }
0xcc: {  	[tilespmem:s14], [sflag:$0xA] =	stream.indirect.gather [spmem:s3], $0x1, s23, s22, $0x2000b8;
	[tilespmem:$0x16868] =	vst v63  }
0xcd: {  	_ =	strace $0x90000050  }
0xce: {  	_ =	strace $0x80000051  }
0xcf: {  	_ =	swait.ge [sflag:s1], $0xA00  }
0xd0: {  	[sflag:s1] =	ssyncset.done $0x0  }
0xd1: {  	[sflag:s1] =	ssyncadd.s32 $0xFFFFF600  }
0xd2: {  	s21 =	simm.s32 $0x0;
	_ =	strace $0x90000051  }
0xd3: {  	s13 =	sand.u32 $0x1F0, s21;
	_ =	strace $0x80000052  }
0xd4: {  	s12 =	simm.s32 $0x10;
	s11 =	simm.s32 $0x6880;
	v0 =	vld [tilespmem:s13+$0x3800]  }
.LBB2_6:
0xd5: {  	p1 =	sne.s32 s12, $0x1F0;
	v1 =	vld [tilespmem:s11+$0x0];
	_ =	sdelay $0x1  }
0xd6: {  	v2 =	vld [tilespmem:s13+$0x3A00];
	_ =	sdelay $0x1  }
0xd7: {  	v3 =	vld [tilespmem:s13+$0x3C00]  }
0xd8: {  	v0 =	vadd.f32 v0, v1  }
0xd9: {  	v1 =	vld [tilespmem:s13+$0x3E00]  }
0xda: {  	v0 =	vadd.f32 v2, v0  }
0xdb: {  	v2 =	vld [tilespmem:s13+$0x4000]  }
0xdc: {  	v0 =	vadd.f32 v3, v0;
	_ =	sdelay $0x1  }
0xdd: {  	v0 =	vadd.f32 v1, v0  }
.Ltmp2:
0xde: {  	(pc) =	sbr.rel @p1 .LBB2_6-.Ltmp2, $3  }
0xdf: {  	v0 =	vadd.f32 v2, v0;
	_ =	sdelay $0x1  }
0xe0: {  	s13 =	sand.u32 $0x1F0, s12;
	[tilespmem:s11+$0x0] =	vst v0  }
0xe1: {  	s12 =	sadd.s32 $0x10, s12;
	s11 =	sadd.s32 $0x10, s11;
	v0 =	vld [tilespmem:s13+$0x3800]  }
0xe2: {  	v1 =	vld [tilespmem:s11+$0x0];
	_ =	sdelay $0x1  }
0xe3: {  	v2 =	vld [tilespmem:s13+$0x3A00];
	_ =	sdelay $0x1  }
0xe4: {  	v3 =	vld [tilespmem:s13+$0x3C00]  }
0xe5: {  	v0 =	vadd.f32 v0, v1  }
0xe6: {  	v1 =	vld [tilespmem:s13+$0x3E00]  }
0xe7: {  	v0 =	vadd.f32 v2, v0  }
0xe8: {  	v2 =	vld [tilespmem:s13+$0x4000]  }
0xe9: {  	v0 =	vadd.f32 v3, v0;
	_ =	sdelay $0x1  }
0xea: {  	v0 =	vadd.f32 v1, v0;
	_ =	sdelay $0x1  }
0xeb: {  	v0 =	vadd.f32 v2, v0;
	_ =	sdelay $0x1  }
0xec: {  	[tilespmem:s11+$0x0] =	vst v0  }
0xed: {  	_ =	strace $0x90000052  }
0xee: {  	_ =	strace $0x80000053  }
0xef: {  	_ =	swait.ge [sflag:s2], $0x890  }
0xf0: {  	[sflag:s2] =	ssyncset.done $0x0  }
0xf1: {  	[sflag:s2] =	ssyncadd.s32 $0xFFFFF770  }
0xf2: {  	[bflag:$0x0] =	sbarrier.arrive $0xFFFF  }
0xf3: {  	_ =	strace $0x90000053  }
0xf4: {  	s14 =	simm.s32 $0x4E00;
	_ =	strace $0x80000054  }
0xf5: {  	[tilespmem:s14], [sflag:$0xB] =	stream.indirect.gather [spmem:s3], $0x1, s24, s23, $0x2000b8;
	[tilespmem:$0x16868] =	vst v63  }
0xf6: {  	_ =	strace $0x90000054  }
0xf7: {  	_ =	strace $0x80000055  }
0xf8: {  	_ =	swait.ge [sflag:s6], $0xC00  }
0xf9: {  	[sflag:s6] =	ssyncset.done $0x0  }
0xfa: {  	[sflag:s6] =	ssyncadd.s32 $0xFFFFF400  }
0xfb: {  	s21 =	simm.s32 $0x0;
	_ =	strace $0x90000055  }
0xfc: {  	s12 =	sand.u32 $0x1F0, s21;
	_ =	strace $0x80000056  }
0xfd: {  	s13 =	simm.s32 $0x10;
	s11 =	simm.s32 $0x6880;
	v0 =	vld [tilespmem:s12+$0x4200]  }
.LBB2_8:
0xfe: {  	p1 =	sne.s32 s13, $0x1F0;
	v1 =	vld [tilespmem:s11+$0x0];
	_ =	sdelay $0x1  }
0xff: {  	v2 =	vld [tilespmem:s12+$0x4400];
	_ =	sdelay $0x1  }
0x100: {  	v3 =	vld [tilespmem:s12+$0x4600]  }
0x101: {  	v0 =	vadd.f32 v0, v1  }
0x102: {  	v1 =	vld [tilespmem:s12+$0x4800]  }
0x103: {  	v0 =	vadd.f32 v2, v0  }
0x104: {  	v2 =	vld [tilespmem:s12+$0x4A00]  }
0x105: {  	v0 =	vadd.f32 v3, v0  }
0x106: {  	v3 =	vld [tilespmem:s12+$0x4C00]  }
0x107: {  	v0 =	vadd.f32 v1, v0;
	_ =	sdelay $0x1  }
0x108: {  	v0 =	vadd.f32 v2, v0  }
.Ltmp3:
0x109: {  	(pc) =	sbr.rel @p1 .LBB2_8-.Ltmp3, $3  }
0x10a: {  	v0 =	vadd.f32 v3, v0;
	_ =	sdelay $0x1  }
0x10b: {  	s12 =	sand.u32 $0x1F0, s13;
	[tilespmem:s11+$0x0] =	vst v0  }
0x10c: {  	s13 =	sadd.s32 $0x10, s13;
	s11 =	sadd.s32 $0x10, s11;
	v0 =	vld [tilespmem:s12+$0x4200]  }
0x10d: {  	v1 =	vld [tilespmem:s11+$0x0];
	_ =	sdelay $0x1  }
0x10e: {  	v2 =	vld [tilespmem:s12+$0x4400];
	_ =	sdelay $0x1  }
0x10f: {  	v3 =	vld [tilespmem:s12+$0x4600]  }
0x110: {  	v0 =	vadd.f32 v0, v1  }
0x111: {  	v1 =	vld [tilespmem:s12+$0x4800]  }
0x112: {  	v0 =	vadd.f32 v2, v0  }
0x113: {  	v2 =	vld [tilespmem:s12+$0x4A00]  }
0x114: {  	v0 =	vadd.f32 v3, v0  }
0x115: {  	v3 =	vld [tilespmem:s12+$0x4C00]  }
0x116: {  	v0 =	vadd.f32 v1, v0;
	_ =	sdelay $0x1  }
0x117: {  	v0 =	vadd.f32 v2, v0;
	_ =	sdelay $0x1  }
0x118: {  	v0 =	vadd.f32 v3, v0;
	_ =	sdelay $0x1  }
0x119: {  	[tilespmem:s11+$0x0] =	vst v0  }
0x11a: {  	_ =	strace $0x90000056  }
0x11b: {  	s11 =	simm.s32 @p0 $0x7;
	_ =	strace $0x80000057  }
0x11c: {  	_ =	swait.ge @p0 [sflag:s11], $0x720  }
0x11d: {  	[sflag:s11] =	ssyncset.done @p0 $0x0  }
0x11e: {  	[sflag:s11] =	ssyncadd.s32 @p0 $0xFFFFF8E0;
	s11 =	simm.s32 @!p0 $0x7  }
0x11f: {  	_ =	swait.ge @!p0 [sflag:s11], $0x750  }
0x120: {  	[sflag:s11] =	ssyncset.done @!p0 $0x0  }
0x121: {  	[sflag:s11] =	ssyncadd.s32 @!p0 $0xFFFFF8B0  }
0x122: {  	[bflag:$0x0] =	sbarrier.arrive $0xFFFF  }
0x123: {  	_ =	strace $0x90000057  }
0x124: {  	s14 =	simm.s32 $0x5C00;
	_ =	strace $0x80000058  }
0x125: {  	[tilespmem:s14], [sflag:$0xC] =	stream.indirect.gather [spmem:s3], $0x1, s25, s22, $0x2000b8;
	[tilespmem:$0x16868] =	vst v63  }
0x126: {  	_ =	strace $0x90000058  }
0x127: {  	_ =	strace $0x80000059  }
0x128: {  	_ =	swait.ge [sflag:s7], $0xE00  }
0x129: {  	[sflag:s7] =	ssyncset.done $0x0  }
0x12a: {  	[sflag:s7] =	ssyncadd.s32 $0xFFFFF200  }
0x12b: {  	s21 =	simm.s32 $0x0;
	_ =	strace $0x90000059  }
0x12c: {  	s12 =	sand.u32 $0x1F0, s21;
	_ =	strace $0x8000005A  }
0x12d: {  	s13 =	simm.s32 $0x10;
	s11 =	simm.s32 $0x6880;
	v0 =	vld [tilespmem:s12+$0x4E00]  }
.LBB2_10:
0x12e: {  	p1 =	sne.s32 s13, $0x1F0;
	v1 =	vld [tilespmem:s11+$0x0];
	_ =	sdelay $0x1  }
0x12f: {  	v2 =	vld [tilespmem:s12+$0x5000];
	_ =	sdelay $0x1  }
0x130: {  	v3 =	vld [tilespmem:s12+$0x5200]  }
0x131: {  	v0 =	vadd.f32 v0, v1  }
0x132: {  	v1 =	vld [tilespmem:s12+$0x5400]  }
0x133: {  	v0 =	vadd.f32 v2, v0  }
0x134: {  	v2 =	vld [tilespmem:s12+$0x5600]  }
0x135: {  	v0 =	vadd.f32 v3, v0  }
0x136: {  	v3 =	vld [tilespmem:s12+$0x5800]  }
0x137: {  	v0 =	vadd.f32 v1, v0  }
0x138: {  	v1 =	vld [tilespmem:s12+$0x5A00]  }
0x139: {  	v0 =	vadd.f32 v2, v0;
	_ =	sdelay $0x1  }
0x13a: {  	v0 =	vadd.f32 v3, v0  }
.Ltmp4:
0x13b: {  	(pc) =	sbr.rel @p1 .LBB2_10-.Ltmp4, $3  }
0x13c: {  	v0 =	vadd.f32 v1, v0;
	_ =	sdelay $0x1  }
0x13d: {  	s12 =	sand.u32 $0x1F0, s13;
	[tilespmem:s11+$0x0] =	vst v0  }
0x13e: {  	s13 =	sadd.s32 $0x10, s13;
	s11 =	sadd.s32 $0x10, s11;
	v0 =	vld [tilespmem:s12+$0x4E00]  }
0x13f: {  	v1 =	vld [tilespmem:s11+$0x0];
	_ =	sdelay $0x1  }
0x140: {  	v2 =	vld [tilespmem:s12+$0x5000];
	_ =	sdelay $0x1  }
0x141: {  	v3 =	vld [tilespmem:s12+$0x5200]  }
0x142: {  	v0 =	vadd.f32 v0, v1  }
0x143: {  	v1 =	vld [tilespmem:s12+$0x5400]  }
0x144: {  	v0 =	vadd.f32 v2, v0  }
0x145: {  	v2 =	vld [tilespmem:s12+$0x5600]  }
0x146: {  	v0 =	vadd.f32 v3, v0  }
0x147: {  	v3 =	vld [tilespmem:s12+$0x5800]  }
0x148: {  	v0 =	vadd.f32 v1, v0  }
0x149: {  	v1 =	vld [tilespmem:s12+$0x5A00]  }
0x14a: {  	v0 =	vadd.f32 v2, v0;
	_ =	sdelay $0x1  }
0x14b: {  	v0 =	vadd.f32 v3, v0;
	_ =	sdelay $0x1  }
0x14c: {  	v0 =	vadd.f32 v1, v0;
	_ =	sdelay $0x1  }
0x14d: {  	[tilespmem:s11+$0x0] =	vst v0  }
0x14e: {  	_ =	strace $0x9000005A  }
0x14f: {  	_ =	strace $0x8000005B  }
0x150: {  	_ =	swait.ge [sflag:s8], $0xC00  }
0x151: {  	[sflag:s8] =	ssyncset.done $0x0  }
0x152: {  	[sflag:s8] =	ssyncadd.s32 $0xFFFFF400  }
0x153: {  	s21 =	simm.s32 $0x0;
	_ =	strace $0x9000005B  }
0x154: {  	s12 =	sand.u32 $0x1F0, s21;
	_ =	strace $0x8000005C  }
0x155: {  	s13 =	simm.s32 $0x10;
	s11 =	simm.s32 $0x6880;
	v0 =	vld [tilespmem:s12+$0x5C00]  }
.LBB2_12:
0x156: {  	p1 =	sne.s32 s13, $0x1F0;
	v1 =	vld [tilespmem:s11+$0x0];
	_ =	sdelay $0x1  }
0x157: {  	v2 =	vld [tilespmem:s12+$0x5E00];
	_ =	sdelay $0x1  }
0x158: {  	v3 =	vld [tilespmem:s12+$0x6000]  }
0x159: {  	v0 =	vadd.f32 v0, v1  }
0x15a: {  	v1 =	vld [tilespmem:s12+$0x6200]  }
0x15b: {  	v0 =	vadd.f32 v2, v0  }
0x15c: {  	v2 =	vld [tilespmem:s12+$0x6400]  }
0x15d: {  	v0 =	vadd.f32 v3, v0  }
0x15e: {  	v3 =	vld [tilespmem:s12+$0x6600]  }
0x15f: {  	v0 =	vadd.f32 v1, v0;
	_ =	sdelay $0x1  }
0x160: {  	v0 =	vadd.f32 v2, v0  }
.Ltmp5:
0x161: {  	(pc) =	sbr.rel @p1 .LBB2_12-.Ltmp5, $3  }
0x162: {  	v0 =	vadd.f32 v3, v0;
	_ =	sdelay $0x1  }
0x163: {  	s12 =	sand.u32 $0x1F0, s13;
	[tilespmem:s11+$0x0] =	vst v0  }
0x164: {  	s13 =	sadd.s32 $0x10, s13;
	s11 =	sadd.s32 $0x10, s11;
	v0 =	vld [tilespmem:s12+$0x5C00]  }
0x165: {  	v1 =	vld [tilespmem:s11+$0x0];
	_ =	sdelay $0x1  }
0x166: {  	v2 =	vld [tilespmem:s12+$0x5E00];
	_ =	sdelay $0x1  }
0x167: {  	v3 =	vld [tilespmem:s12+$0x6000]  }
0x168: {  	v0 =	vadd.f32 v0, v1  }
0x169: {  	v61 =	vld [tilespmem:s12+$0x6200]  }
0x16a: {  	v0 =	vadd.f32 v2, v0  }
0x16b: {  	v62 =	vld [tilespmem:s12+$0x6400]  }
0x16c: {  	v0 =	vadd.f32 v3, v0  }
0x16d: {  	v63 =	vld [tilespmem:s12+$0x6600]  }
0x16e: {  	v0 =	vadd.f32 v61, v0;
	_ =	sdelay $0x1  }
0x16f: {  	v0 =	vadd.f32 v62, v0;
	_ =	sdelay $0x1  }
0x170: {  	v0 =	vadd.f32 v63, v0;
	_ =	sdelay $0x1  }
0x171: {  	[tilespmem:s11+$0x0] =	vst v0  }
0x172: {  	_ =	strace $0x9000005C  }
0x173: {  	s14 =	simm.s32 $0x6880;
	s13 =	rddreg [dreg:$0x11]  }
0x174: {  	[hbm4b:s13+s4] =	stream.linear.scatter [tilespmem:s14], [sflag:$0xD], $0x200, $0x38;
	[tilespmem:$0x16868] =	vst v63  }
0x175: {  	_ =	swait.ge [sflag:s9], $0x200  }
0x176: {  	s10 =	sadd.s32 $0x1, s10;
	s21 =	rddreg [dreg:$0x13]  }
0x177: {  	p1 =	sne.s32 s10, s21  }
.Ltmp6:
0x178: {  	_ = 	snop;
	(pc) =	sbr.rel @p1 .LBB2_1-.Ltmp6, $3  }
0x179: {  	_ =	sdelay $0x1  }
0x17a: {  	[sflag:s9] =	ssyncset.done $0x0  }
0x17b: {  	[sflag:s9] =	ssyncadd.s32 $0xFFFFFE00  }
0x17c: {  	_ =	sfence.sel $0x180000  }
0x17d: {  	[bflag:$0x0] =	sbarrier.arrive $0xFFFF  }
0x17e: {  	_ =	strace $0x90000047  }
0x17f: {  	s0 =	stileid.u32;
	[bflag:$0x2] =	sbarrier.arrive $0xFFFF  }
0x180: {  	p0 =	sne.s32 s0, $0x0;
	s0 =	rddreg [dreg:$0x5]  }
0x181: {  	s0 =	sadd.s32 @!p0 $0x100000, s0  }
0x182: {  	[sflag:s0] =	ssyncadd.tile.s32 @!p0 $0x1;
	_ =	shalt  }
.Lfunc_end2:
_tile_overlayer_lowered:
.L_overlay_start_2:
0x183: {  	(tag) =	ssettag $0x2  }
0x184: {  	s0 =	rddreg [dreg:$0x0];
	s2 =	stileid.u32  }
0x185: {  	s1 =	rddreg [dreg:$0x1];
	p0 =	sne.s32 s2, $0x0  }
0x186: {  	s3 =	rddreg [dreg:$0x2];
	[bflag:$0x3] =	sbarrier.arrive $0xFFFF;
	s2 =	simm.s32 @!p0 $0x1C0D  }
0x187: {  	[timem:s3], [sflag:s2] =	dma.local @!p0 [hbm:s0], s1  }
0x188: {  	s0 =	simm.s32 @!p0 $0xD  }
0x189: {  	_ =	swait.ge @!p0 [sflag:s0], s1  }
0x18a: {  	s1 =	ssub.s32 @!p0 $0x0, s1;
	[sflag:s0] =	ssyncset.done @!p0 $0x0  }
0x18b: {  	[sflag:s0] =	ssyncadd.s32 @!p0 s1  }
0x18c: {  	[bflag:$0x3] =	sbarrier.arrive $0xFFFF  }
0x18d: {  	_ =	shalt  }

</sc_bundles>
